<compile_context>
chip_gen: v7x
topology: tpu7x:2x2x1
jax: 0.10.2.dev20260603
libtpu: 0.0.44.dev20260713+nightly
codegen_flags: <defaults>
</compile_context>

<pallas_src>
import jax
import jax.numpy as jnp
from jax import lax
from jax.experimental import pallas as pl
from jax.experimental.pallas import tpu as pltpu
from jax.experimental.pallas import tpu_sc as plsc

_NC = 1
_NS = 16
_NW = _NC * _NS

_ROWS_OUT = 2 * 9 * 32
_CH = 4
_NU = _ROWS_OUT // _CH // _NW


def _unit_rows(u):
    p = u // jnp.int32(8)
    c = u - p * jnp.int32(8)
    d = p // jnp.int32(9)
    kk = p - d * jnp.int32(9)
    s = (d * jnp.int32(576) + kk * jnp.int32(64)) + c * jnp.int32(_CH)
    r = p * jnp.int32(32) + c * jnp.int32(_CH)
    return s, r


def _sc_body(lo_hbm, olo_hbm, *rest):
    bufs, (sem_g, sem_s) = rest[:_NU], rest[_NU:]
    wid = lax.axis_index("s") * _NC + lax.axis_index("c")
    units = [wid + jnp.int32(_NW * i) for i in range(_NU)]

    for i, u in enumerate(units):
        pltpu.make_async_copy(
            lo_hbm.at[pl.ds(_unit_rows(u)[0], _CH), :], bufs[i], sem_g).start()

    for i, u in enumerate(units):
        s, r = _unit_rows(u)
        pltpu.make_async_copy(
            lo_hbm.at[pl.ds(s, _CH), :], bufs[i], sem_g).wait()
        pltpu.make_async_copy(
            bufs[i], olo_hbm.at[pl.ds(r, _CH), :], sem_s).start()

    for i, u in enumerate(units):
        pltpu.make_async_copy(
            bufs[i], olo_hbm.at[pl.ds(_unit_rows(u)[1], _CH), :], sem_s).wait()


@jax.jit
def kernel(edge_index):
    lo = lax.convert_element_type(edge_index, jnp.int32)
    lo2d = jnp.transpose(lo, (0, 3, 1, 2)).reshape(2 * 18 * 32, 1024)
    run = pl.kernel(
        _sc_body,
        out_type=jax.ShapeDtypeStruct((_ROWS_OUT, 1024), jnp.int32),
        mesh=plsc.VectorSubcoreMesh(
            core_axis_name="c", subcore_axis_name="s", num_cores=_NC),
        scratch_types=(
            [pltpu.VMEM((_CH, 1024), jnp.int32) for _ in range(_NU)]
            + [pltpu.SemaphoreType.DMA, pltpu.SemaphoreType.DMA]
        ),
    )
    olo = run(lo2d)
    out32 = jnp.transpose(olo.reshape(2, 9, 32, 1024), (0, 2, 3, 1))
    return lax.convert_element_type(out32, jnp.int64) & jnp.int64(0xFFFFFFFF)

# --- scband reference (transcript-rebuilt; emitter-appended) ---
"""Pipeline reference for scband-gcndense-dilated-42554535969006 (READ-ONLY COPY).

The authoritative reference and input builder live on the scoring server;
editing this copy changes nothing except your own understanding.
"""

import jax, jax.numpy as jnp
import numpy as np
jax.config.update('jax_enable_x64', True)


def setup_inputs(seed: int = 0) -> dict:
    key = jax.random.key(seed)
    # edge_index: [2, B, N, k*dilation] with node indices in [0, N)
    edge_index = jax.random.randint(key, (2, 32, 1024, 18), 0, 1024, dtype=jnp.int64)
    return {"edge_index": edge_index}


def reference(edge_index):
    # Faithful translation of _GCNDenseDilated.forward in eval mode
    # (stochastic branch only fires when self.training and rand < epsilon;
    #  with stochastic=False it is never taken).
    dilation = 2
    return edge_index[:, :, :, ::dilation]

if __name__ == "__main__":
    import jax
    _d = setup_inputs()
    print(jax.jit(kernel)(*tuple(_d.values())))

</pallas_src>

<mosaic_0001>
#map = affine_map<(d0, d1) -> (0, 0)>
module attributes {stable_mosaic.version = 14 : i64} {
  func.func @_sc_body(%arg0: i32, %arg1: i32, %arg2: memref<1152x1024xi32, #tpu.memory_space<hbm>>, %arg3: memref<576x1024xi32, #tpu.memory_space<hbm>>, %arg4: memref<4x1024xi32, #tpu.memory_space<vmem>>, %arg5: memref<4x1024xi32, #tpu.memory_space<vmem>>, %arg6: memref<4x1024xi32, #tpu.memory_space<vmem>>, %arg7: memref<4x1024xi32, #tpu.memory_space<vmem>>, %arg8: memref<4x1024xi32, #tpu.memory_space<vmem>>, %arg9: memref<4x1024xi32, #tpu.memory_space<vmem>>, %arg10: memref<4x1024xi32, #tpu.memory_space<vmem>>, %arg11: memref<4x1024xi32, #tpu.memory_space<vmem>>, %arg12: memref<4x1024xi32, #tpu.memory_space<vmem>>, %arg13: memref<!tpu.dma_semaphore, #tpu.memory_space<semaphore_mem>>, %arg14: memref<!tpu.dma_semaphore, #tpu.memory_space<semaphore_mem>>) attributes {dimension_semantics = [#tpu.dimension_semantics<core_parallel>, #tpu.dimension_semantics<subcore_parallel>], iteration_bounds = array<i64: 1, 16>, scalar_prefetch = 0 : i64, scratch_operands = 11 : i64, tpu.core_type = #tpu.core_type<sc_vector_subcore>, window_params = [{transform_indices = #map}, {transform_indices = #map}]} {
    %mul3A = arith.constant 1 : i32
    %mul3A_0 = arith.muli %arg1, %mul3A : i32
    %add3A = arith.addi %mul3A_0, %arg0 : i32
    %add3A_1 = arith.constant 0 : i32
    %add3A_2 = arith.addi %add3A, %add3A_1 : i32
    %add3A_3 = arith.constant 16 : i32
    %add3A_4 = arith.addi %add3A, %add3A_3 : i32
    %add3A_5 = arith.constant 32 : i32
    %add3A_6 = arith.addi %add3A, %add3A_5 : i32
    %add3A_7 = arith.constant 48 : i32
    %add3A_8 = arith.addi %add3A, %add3A_7 : i32
    %add3A_9 = arith.constant 64 : i32
    %add3A_10 = arith.addi %add3A, %add3A_9 : i32
    %add3A_11 = arith.constant 80 : i32
    %add3A_12 = arith.addi %add3A, %add3A_11 : i32
    %add3A_13 = arith.constant 96 : i32
    %add3A_14 = arith.addi %add3A, %add3A_13 : i32
    %add3A_15 = arith.constant 112 : i32
    %add3A_16 = arith.addi %add3A, %add3A_15 : i32
    %add3A_17 = arith.constant 128 : i32
    %add3A_18 = arith.addi %add3A, %add3A_17 : i32
    %jit3A = arith.constant 8 : i32
    %div3A = arith.divsi %add3A_2, %jit3A : i32
    %sign3A = arith.constant 0 : i32
    %sign3A_19 = arith.cmpi sgt, %add3A_2, %sign3A : i32
    %sign3A_20 = arith.extui %sign3A_19 : i1 to i32
    %sign3A_21 = arith.constant 0 : i32
    %sign3A_22 = arith.cmpi slt, %add3A_2, %sign3A_21 : i32
    %sign3A_23 = arith.extui %sign3A_22 : i1 to i32
    %sign3A_24 = arith.subi %sign3A_20, %sign3A_23 : i32
    %sign3A_25 = arith.constant 0 : i32
    %sign3A_26 = arith.cmpi sgt, %jit3A, %sign3A_25 : i32
    %sign3A_27 = arith.extui %sign3A_26 : i1 to i32
    %sign3A_28 = arith.constant 0 : i32
    %sign3A_29 = arith.cmpi slt, %jit3A, %sign3A_28 : i32
    %sign3A_30 = arith.extui %sign3A_29 : i1 to i32
    %sign3A_31 = arith.subi %sign3A_27, %sign3A_30 : i32
    %ne3A = arith.cmpi ne, %sign3A_24, %sign3A_31 : i32
    %rem3A = arith.remsi %add3A_2, %jit3A : i32
    %ne3A_32 = arith.constant 0 : i32
    %ne3A_33 = arith.cmpi ne, %rem3A, %ne3A_32 : i32
    %and3A = arith.andi %ne3A, %ne3A_33 : i1
    %sub3A = arith.constant 1 : i32
    %sub3A_34 = arith.subi %div3A, %sub3A : i32
    %select_n3A = arith.select %and3A, %sub3A_34, %div3A : i32
    %mul3A_35 = arith.constant 8 : i32
    %mul3A_36 = arith.muli %select_n3A, %mul3A_35 : i32
    %sub3A_37 = arith.subi %add3A_2, %mul3A_36 : i32
    %jit3A_38 = arith.constant 9 : i32
    %div3A_39 = arith.divsi %select_n3A, %jit3A_38 : i32
    %sign3A_40 = arith.constant 0 : i32
    %sign3A_41 = arith.cmpi sgt, %select_n3A, %sign3A_40 : i32
    %sign3A_42 = arith.extui %sign3A_41 : i1 to i32
    %sign3A_43 = arith.constant 0 : i32
    %sign3A_44 = arith.cmpi slt, %select_n3A, %sign3A_43 : i32
    %sign3A_45 = arith.extui %sign3A_44 : i1 to i32
    %sign3A_46 = arith.subi %sign3A_42, %sign3A_45 : i32
    %sign3A_47 = arith.constant 0 : i32
    %sign3A_48 = arith.cmpi sgt, %jit3A_38, %sign3A_47 : i32
    %sign3A_49 = arith.extui %sign3A_48 : i1 to i32
    %sign3A_50 = arith.constant 0 : i32
    %sign3A_51 = arith.cmpi slt, %jit3A_38, %sign3A_50 : i32
    %sign3A_52 = arith.extui %sign3A_51 : i1 to i32
    %sign3A_53 = arith.subi %sign3A_49, %sign3A_52 : i32
    %ne3A_54 = arith.cmpi ne, %sign3A_46, %sign3A_53 : i32
    %rem3A_55 = arith.remsi %select_n3A, %jit3A_38 : i32
    %ne3A_56 = arith.constant 0 : i32
    %ne3A_57 = arith.cmpi ne, %rem3A_55, %ne3A_56 : i32
    %and3A_58 = arith.andi %ne3A_54, %ne3A_57 : i1
    %sub3A_59 = arith.constant 1 : i32
    %sub3A_60 = arith.subi %div3A_39, %sub3A_59 : i32
    %select_n3A_61 = arith.select %and3A_58, %sub3A_60, %div3A_39 : i32
    %mul3A_62 = arith.constant 9 : i32
    %mul3A_63 = arith.muli %select_n3A_61, %mul3A_62 : i32
    %sub3A_64 = arith.subi %select_n3A, %mul3A_63 : i32
    %mul3A_65 = arith.constant 576 : i32
    %mul3A_66 = arith.muli %select_n3A_61, %mul3A_65 : i32
    %mul3A_67 = arith.constant 64 : i32
    %mul3A_68 = arith.muli %sub3A_64, %mul3A_67 : i32
    %add3A_69 = arith.addi %mul3A_66, %mul3A_68 : i32
    %mul3A_70 = arith.constant 4 : i32
    %mul3A_71 = arith.muli %sub3A_37, %mul3A_70 : i32
    %add3A_72 = arith.addi %add3A_69, %mul3A_71 : i32
    %mul3A_73 = arith.constant 32 : i32
    %mul3A_74 = arith.muli %select_n3A, %mul3A_73 : i32
    %mul3A_75 = arith.constant 4 : i32
    %mul3A_76 = arith.muli %sub3A_37, %mul3A_75 : i32
    %add3A_77 = arith.addi %mul3A_74, %mul3A_76 : i32
    %dma_start3A = arith.constant 0 : i32
    %dma_start3A_78 = tpu.memref_slice %arg2[%add3A_72, %dma_start3A] : memref<1152x1024xi32, #tpu.memory_space<hbm>> -> memref<4x1024xi32, #tpu.memory_space<hbm>>
    %dma_start3A_79 = arith.constant 0 : i32
    %dma_start3A_80 = tpu.memref_slice %arg2[%add3A_72, %dma_start3A_79] : memref<1152x1024xi32, #tpu.memory_space<hbm>> -> memref<4x1024xi32, #tpu.memory_space<hbm>>
    tpu.enqueue_dma source(%dma_start3A_80 : memref<4x1024xi32, #tpu.memory_space<hbm>>) target(%arg4 : memref<4x1024xi32, #tpu.memory_space<vmem>>) target_semaphore(%arg13 : memref<!tpu.dma_semaphore, #tpu.memory_space<semaphore_mem>>)
    %jit3A_81 = arith.constant 8 : i32
    %div3A_82 = arith.divsi %add3A_4, %jit3A_81 : i32
    %sign3A_83 = arith.constant 0 : i32
    %sign3A_84 = arith.cmpi sgt, %add3A_4, %sign3A_83 : i32
    %sign3A_85 = arith.extui %sign3A_84 : i1 to i32
    %sign3A_86 = arith.constant 0 : i32
    %sign3A_87 = arith.cmpi slt, %add3A_4, %sign3A_86 : i32
    %sign3A_88 = arith.extui %sign3A_87 : i1 to i32
    %sign3A_89 = arith.subi %sign3A_85, %sign3A_88 : i32
    %sign3A_90 = arith.constant 0 : i32
    %sign3A_91 = arith.cmpi sgt, %jit3A_81, %sign3A_90 : i32
    %sign3A_92 = arith.extui %sign3A_91 : i1 to i32
    %sign3A_93 = arith.constant 0 : i32
    %sign3A_94 = arith.cmpi slt, %jit3A_81, %sign3A_93 : i32
    %sign3A_95 = arith.extui %sign3A_94 : i1 to i32
    %sign3A_96 = arith.subi %sign3A_92, %sign3A_95 : i32
    %ne3A_97 = arith.cmpi ne, %sign3A_89, %sign3A_96 : i32
    %rem3A_98 = arith.remsi %add3A_4, %jit3A_81 : i32
    %ne3A_99 = arith.constant 0 : i32
    %ne3A_100 = arith.cmpi ne, %rem3A_98, %ne3A_99 : i32
    %and3A_101 = arith.andi %ne3A_97, %ne3A_100 : i1
    %sub3A_102 = arith.constant 1 : i32
    %sub3A_103 = arith.subi %div3A_82, %sub3A_102 : i32
    %select_n3A_104 = arith.select %and3A_101, %sub3A_103, %div3A_82 : i32
    %mul3A_105 = arith.constant 8 : i32
    %mul3A_106 = arith.muli %select_n3A_104, %mul3A_105 : i32
    %sub3A_107 = arith.subi %add3A_4, %mul3A_106 : i32
    %jit3A_108 = arith.constant 9 : i32
    %div3A_109 = arith.divsi %select_n3A_104, %jit3A_108 : i32
    %sign3A_110 = arith.constant 0 : i32
    %sign3A_111 = arith.cmpi sgt, %select_n3A_104, %sign3A_110 : i32
    %sign3A_112 = arith.extui %sign3A_111 : i1 to i32
    %sign3A_113 = arith.constant 0 : i32
    %sign3A_114 = arith.cmpi slt, %select_n3A_104, %sign3A_113 : i32
    %sign3A_115 = arith.extui %sign3A_114 : i1 to i32
    %sign3A_116 = arith.subi %sign3A_112, %sign3A_115 : i32
    %sign3A_117 = arith.constant 0 : i32
    %sign3A_118 = arith.cmpi sgt, %jit3A_108, %sign3A_117 : i32
    %sign3A_119 = arith.extui %sign3A_118 : i1 to i32
    %sign3A_120 = arith.constant 0 : i32
    %sign3A_121 = arith.cmpi slt, %jit3A_108, %sign3A_120 : i32
    %sign3A_122 = arith.extui %sign3A_121 : i1 to i32
    %sign3A_123 = arith.subi %sign3A_119, %sign3A_122 : i32
    %ne3A_124 = arith.cmpi ne, %sign3A_116, %sign3A_123 : i32
    %rem3A_125 = arith.remsi %select_n3A_104, %jit3A_108 : i32
    %ne3A_126 = arith.constant 0 : i32
    %ne3A_127 = arith.cmpi ne, %rem3A_125, %ne3A_126 : i32
    %and3A_128 = arith.andi %ne3A_124, %ne3A_127 : i1
    %sub3A_129 = arith.constant 1 : i32
    %sub3A_130 = arith.subi %div3A_109, %sub3A_129 : i32
    %select_n3A_131 = arith.select %and3A_128, %sub3A_130, %div3A_109 : i32
    %mul3A_132 = arith.constant 9 : i32
    %mul3A_133 = arith.muli %select_n3A_131, %mul3A_132 : i32
    %sub3A_134 = arith.subi %select_n3A_104, %mul3A_133 : i32
    %mul3A_135 = arith.constant 576 : i32
    %mul3A_136 = arith.muli %select_n3A_131, %mul3A_135 : i32
    %mul3A_137 = arith.constant 64 : i32
    %mul3A_138 = arith.muli %sub3A_134, %mul3A_137 : i32
    %add3A_139 = arith.addi %mul3A_136, %mul3A_138 : i32
    %mul3A_140 = arith.constant 4 : i32
    %mul3A_141 = arith.muli %sub3A_107, %mul3A_140 : i32
    %add3A_142 = arith.addi %add3A_139, %mul3A_141 : i32
    %mul3A_143 = arith.constant 32 : i32
    %mul3A_144 = arith.muli %select_n3A_104, %mul3A_143 : i32
    %mul3A_145 = arith.constant 4 : i32
    %mul3A_146 = arith.muli %sub3A_107, %mul3A_145 : i32
    %add3A_147 = arith.addi %mul3A_144, %mul3A_146 : i32
    %dma_start3A_148 = arith.constant 0 : i32
    %dma_start3A_149 = tpu.memref_slice %arg2[%add3A_142, %dma_start3A_148] : memref<1152x1024xi32, #tpu.memory_space<hbm>> -> memref<4x1024xi32, #tpu.memory_space<hbm>>
    %dma_start3A_150 = arith.constant 0 : i32
    %dma_start3A_151 = tpu.memref_slice %arg2[%add3A_142, %dma_start3A_150] : memref<1152x1024xi32, #tpu.memory_space<hbm>> -> memref<4x1024xi32, #tpu.memory_space<hbm>>
    tpu.enqueue_dma source(%dma_start3A_151 : memref<4x1024xi32, #tpu.memory_space<hbm>>) target(%arg5 : memref<4x1024xi32, #tpu.memory_space<vmem>>) target_semaphore(%arg13 : memref<!tpu.dma_semaphore, #tpu.memory_space<semaphore_mem>>)
    %jit3A_152 = arith.constant 8 : i32
    %div3A_153 = arith.divsi %add3A_6, %jit3A_152 : i32
    %sign3A_154 = arith.constant 0 : i32
    %sign3A_155 = arith.cmpi sgt, %add3A_6, %sign3A_154 : i32
    %sign3A_156 = arith.extui %sign3A_155 : i1 to i32
    %sign3A_157 = arith.constant 0 : i32
    %sign3A_158 = arith.cmpi slt, %add3A_6, %sign3A_157 : i32
    %sign3A_159 = arith.extui %sign3A_158 : i1 to i32
    %sign3A_160 = arith.subi %sign3A_156, %sign3A_159 : i32
    %sign3A_161 = arith.constant 0 : i32
    %sign3A_162 = arith.cmpi sgt, %jit3A_152, %sign3A_161 : i32
    %sign3A_163 = arith.extui %sign3A_162 : i1 to i32
    %sign3A_164 = arith.constant 0 : i32
    %sign3A_165 = arith.cmpi slt, %jit3A_152, %sign3A_164 : i32
    %sign3A_166 = arith.extui %sign3A_165 : i1 to i32
    %sign3A_167 = arith.subi %sign3A_163, %sign3A_166 : i32
    %ne3A_168 = arith.cmpi ne, %sign3A_160, %sign3A_167 : i32
    %rem3A_169 = arith.remsi %add3A_6, %jit3A_152 : i32
    %ne3A_170 = arith.constant 0 : i32
    %ne3A_171 = arith.cmpi ne, %rem3A_169, %ne3A_170 : i32
    %and3A_172 = arith.andi %ne3A_168, %ne3A_171 : i1
    %sub3A_173 = arith.constant 1 : i32
    %sub3A_174 = arith.subi %div3A_153, %sub3A_173 : i32
    %select_n3A_175 = arith.select %and3A_172, %sub3A_174, %div3A_153 : i32
    %mul3A_176 = arith.constant 8 : i32
    %mul3A_177 = arith.muli %select_n3A_175, %mul3A_176 : i32
    %sub3A_178 = arith.subi %add3A_6, %mul3A_177 : i32
    %jit3A_179 = arith.constant 9 : i32
    %div3A_180 = arith.divsi %select_n3A_175, %jit3A_179 : i32
    %sign3A_181 = arith.constant 0 : i32
    %sign3A_182 = arith.cmpi sgt, %select_n3A_175, %sign3A_181 : i32
    %sign3A_183 = arith.extui %sign3A_182 : i1 to i32
    %sign3A_184 = arith.constant 0 : i32
    %sign3A_185 = arith.cmpi slt, %select_n3A_175, %sign3A_184 : i32
    %sign3A_186 = arith.extui %sign3A_185 : i1 to i32
    %sign3A_187 = arith.subi %sign3A_183, %sign3A_186 : i32
    %sign3A_188 = arith.constant 0 : i32
    %sign3A_189 = arith.cmpi sgt, %jit3A_179, %sign3A_188 : i32
    %sign3A_190 = arith.extui %sign3A_189 : i1 to i32
    %sign3A_191 = arith.constant 0 : i32
    %sign3A_192 = arith.cmpi slt, %jit3A_179, %sign3A_191 : i32
    %sign3A_193 = arith.extui %sign3A_192 : i1 to i32
    %sign3A_194 = arith.subi %sign3A_190, %sign3A_193 : i32
    %ne3A_195 = arith.cmpi ne, %sign3A_187, %sign3A_194 : i32
    %rem3A_196 = arith.remsi %select_n3A_175, %jit3A_179 : i32
    %ne3A_197 = arith.constant 0 : i32
    %ne3A_198 = arith.cmpi ne, %rem3A_196, %ne3A_197 : i32
    %and3A_199 = arith.andi %ne3A_195, %ne3A_198 : i1
    %sub3A_200 = arith.constant 1 : i32
    %sub3A_201 = arith.subi %div3A_180, %sub3A_200 : i32
    %select_n3A_202 = arith.select %and3A_199, %sub3A_201, %div3A_180 : i32
    %mul3A_203 = arith.constant 9 : i32
    %mul3A_204 = arith.muli %select_n3A_202, %mul3A_203 : i32
    %sub3A_205 = arith.subi %select_n3A_175, %mul3A_204 : i32
    %mul3A_206 = arith.constant 576 : i32
    %mul3A_207 = arith.muli %select_n3A_202, %mul3A_206 : i32
    %mul3A_208 = arith.constant 64 : i32
    %mul3A_209 = arith.muli %sub3A_205, %mul3A_208 : i32
    %add3A_210 = arith.addi %mul3A_207, %mul3A_209 : i32
    %mul3A_211 = arith.constant 4 : i32
    %mul3A_212 = arith.muli %sub3A_178, %mul3A_211 : i32
    %add3A_213 = arith.addi %add3A_210, %mul3A_212 : i32
    %mul3A_214 = arith.constant 32 : i32
    %mul3A_215 = arith.muli %select_n3A_175, %mul3A_214 : i32
    %mul3A_216 = arith.constant 4 : i32
    %mul3A_217 = arith.muli %sub3A_178, %mul3A_216 : i32
    %add3A_218 = arith.addi %mul3A_215, %mul3A_217 : i32
    %dma_start3A_219 = arith.constant 0 : i32
    %dma_start3A_220 = tpu.memref_slice %arg2[%add3A_213, %dma_start3A_219] : memref<1152x1024xi32, #tpu.memory_space<hbm>> -> memref<4x1024xi32, #tpu.memory_space<hbm>>
    %dma_start3A_221 = arith.constant 0 : i32
    %dma_start3A_222 = tpu.memref_slice %arg2[%add3A_213, %dma_start3A_221] : memref<1152x1024xi32, #tpu.memory_space<hbm>> -> memref<4x1024xi32, #tpu.memory_space<hbm>>
    tpu.enqueue_dma source(%dma_start3A_222 : memref<4x1024xi32, #tpu.memory_space<hbm>>) target(%arg6 : memref<4x1024xi32, #tpu.memory_space<vmem>>) target_semaphore(%arg13 : memref<!tpu.dma_semaphore, #tpu.memory_space<semaphore_mem>>)
    %jit3A_223 = arith.constant 8 : i32
    %div3A_224 = arith.divsi %add3A_8, %jit3A_223 : i32
    %sign3A_225 = arith.constant 0 : i32
    %sign3A_226 = arith.cmpi sgt, %add3A_8, %sign3A_225 : i32
    %sign3A_227 = arith.extui %sign3A_226 : i1 to i32
    %sign3A_228 = arith.constant 0 : i32
    %sign3A_229 = arith.cmpi slt, %add3A_8, %sign3A_228 : i32
    %sign3A_230 = arith.extui %sign3A_229 : i1 to i32
    %sign3A_231 = arith.subi %sign3A_227, %sign3A_230 : i32
    %sign3A_232 = arith.constant 0 : i32
    %sign3A_233 = arith.cmpi sgt, %jit3A_223, %sign3A_232 : i32
    %sign3A_234 = arith.extui %sign3A_233 : i1 to i32
    %sign3A_235 = arith.constant 0 : i32
    %sign3A_236 = arith.cmpi slt, %jit3A_223, %sign3A_235 : i32
    %sign3A_237 = arith.extui %sign3A_236 : i1 to i32
    %sign3A_238 = arith.subi %sign3A_234, %sign3A_237 : i32
    %ne3A_239 = arith.cmpi ne, %sign3A_231, %sign3A_238 : i32
    %rem3A_240 = arith.remsi %add3A_8, %jit3A_223 : i32
    %ne3A_241 = arith.constant 0 : i32
    %ne3A_242 = arith.cmpi ne, %rem3A_240, %ne3A_241 : i32
    %and3A_243 = arith.andi %ne3A_239, %ne3A_242 : i1
    %sub3A_244 = arith.constant 1 : i32
    %sub3A_245 = arith.subi %div3A_224, %sub3A_244 : i32
    %select_n3A_246 = arith.select %and3A_243, %sub3A_245, %div3A_224 : i32
    %mul3A_247 = arith.constant 8 : i32
    %mul3A_248 = arith.muli %select_n3A_246, %mul3A_247 : i32
    %sub3A_249 = arith.subi %add3A_8, %mul3A_248 : i32
    %jit3A_250 = arith.constant 9 : i32
    %div3A_251 = arith.divsi %select_n3A_246, %jit3A_250 : i32
    %sign3A_252 = arith.constant 0 : i32
    %sign3A_253 = arith.cmpi sgt, %select_n3A_246, %sign3A_252 : i32
    %sign3A_254 = arith.extui %sign3A_253 : i1 to i32
    %sign3A_255 = arith.constant 0 : i32
    %sign3A_256 = arith.cmpi slt, %select_n3A_246, %sign3A_255 : i32
    %sign3A_257 = arith.extui %sign3A_256 : i1 to i32
    %sign3A_258 = arith.subi %sign3A_254, %sign3A_257 : i32
    %sign3A_259 = arith.constant 0 : i32
    %sign3A_260 = arith.cmpi sgt, %jit3A_250, %sign3A_259 : i32
    %sign3A_261 = arith.extui %sign3A_260 : i1 to i32
    %sign3A_262 = arith.constant 0 : i32
    %sign3A_263 = arith.cmpi slt, %jit3A_250, %sign3A_262 : i32
    %sign3A_264 = arith.extui %sign3A_263 : i1 to i32
    %sign3A_265 = arith.subi %sign3A_261, %sign3A_264 : i32
    %ne3A_266 = arith.cmpi ne, %sign3A_258, %sign3A_265 : i32
    %rem3A_267 = arith.remsi %select_n3A_246, %jit3A_250 : i32
    %ne3A_268 = arith.constant 0 : i32
    %ne3A_269 = arith.cmpi ne, %rem3A_267, %ne3A_268 : i32
    %and3A_270 = arith.andi %ne3A_266, %ne3A_269 : i1
    %sub3A_271 = arith.constant 1 : i32
    %sub3A_272 = arith.subi %div3A_251, %sub3A_271 : i32
    %select_n3A_273 = arith.select %and3A_270, %sub3A_272, %div3A_251 : i32
    %mul3A_274 = arith.constant 9 : i32
    %mul3A_275 = arith.muli %select_n3A_273, %mul3A_274 : i32
    %sub3A_276 = arith.subi %select_n3A_246, %mul3A_275 : i32
    %mul3A_277 = arith.constant 576 : i32
    %mul3A_278 = arith.muli %select_n3A_273, %mul3A_277 : i32
    %mul3A_279 = arith.constant 64 : i32
    %mul3A_280 = arith.muli %sub3A_276, %mul3A_279 : i32
    %add3A_281 = arith.addi %mul3A_278, %mul3A_280 : i32
    %mul3A_282 = arith.constant 4 : i32
    %mul3A_283 = arith.muli %sub3A_249, %mul3A_282 : i32
    %add3A_284 = arith.addi %add3A_281, %mul3A_283 : i32
    %mul3A_285 = arith.constant 32 : i32
    %mul3A_286 = arith.muli %select_n3A_246, %mul3A_285 : i32
    %mul3A_287 = arith.constant 4 : i32
    %mul3A_288 = arith.muli %sub3A_249, %mul3A_287 : i32
    %add3A_289 = arith.addi %mul3A_286, %mul3A_288 : i32
    %dma_start3A_290 = arith.constant 0 : i32
    %dma_start3A_291 = tpu.memref_slice %arg2[%add3A_284, %dma_start3A_290] : memref<1152x1024xi32, #tpu.memory_space<hbm>> -> memref<4x1024xi32, #tpu.memory_space<hbm>>
    %dma_start3A_292 = arith.constant 0 : i32
    %dma_start3A_293 = tpu.memref_slice %arg2[%add3A_284, %dma_start3A_292] : memref<1152x1024xi32, #tpu.memory_space<hbm>> -> memref<4x1024xi32, #tpu.memory_space<hbm>>
    tpu.enqueue_dma source(%dma_start3A_293 : memref<4x1024xi32, #tpu.memory_space<hbm>>) target(%arg7 : memref<4x1024xi32, #tpu.memory_space<vmem>>) target_semaphore(%arg13 : memref<!tpu.dma_semaphore, #tpu.memory_space<semaphore_mem>>)
    %jit3A_294 = arith.constant 8 : i32
    %div3A_295 = arith.divsi %add3A_10, %jit3A_294 : i32
    %sign3A_296 = arith.constant 0 : i32
    %sign3A_297 = arith.cmpi sgt, %add3A_10, %sign3A_296 : i32
    %sign3A_298 = arith.extui %sign3A_297 : i1 to i32
    %sign3A_299 = arith.constant 0 : i32
    %sign3A_300 = arith.cmpi slt, %add3A_10, %sign3A_299 : i32
    %sign3A_301 = arith.extui %sign3A_300 : i1 to i32
    %sign3A_302 = arith.subi %sign3A_298, %sign3A_301 : i32
    %sign3A_303 = arith.constant 0 : i32
    %sign3A_304 = arith.cmpi sgt, %jit3A_294, %sign3A_303 : i32
    %sign3A_305 = arith.extui %sign3A_304 : i1 to i32
    %sign3A_306 = arith.constant 0 : i32
    %sign3A_307 = arith.cmpi slt, %jit3A_294, %sign3A_306 : i32
    %sign3A_308 = arith.extui %sign3A_307 : i1 to i32
    %sign3A_309 = arith.subi %sign3A_305, %sign3A_308 : i32
    %ne3A_310 = arith.cmpi ne, %sign3A_302, %sign3A_309 : i32
    %rem3A_311 = arith.remsi %add3A_10, %jit3A_294 : i32
    %ne3A_312 = arith.constant 0 : i32
    %ne3A_313 = arith.cmpi ne, %rem3A_311, %ne3A_312 : i32
    %and3A_314 = arith.andi %ne3A_310, %ne3A_313 : i1
    %sub3A_315 = arith.constant 1 : i32
    %sub3A_316 = arith.subi %div3A_295, %sub3A_315 : i32
    %select_n3A_317 = arith.select %and3A_314, %sub3A_316, %div3A_295 : i32
    %mul3A_318 = arith.constant 8 : i32
    %mul3A_319 = arith.muli %select_n3A_317, %mul3A_318 : i32
    %sub3A_320 = arith.subi %add3A_10, %mul3A_319 : i32
    %jit3A_321 = arith.constant 9 : i32
    %div3A_322 = arith.divsi %select_n3A_317, %jit3A_321 : i32
    %sign3A_323 = arith.constant 0 : i32
    %sign3A_324 = arith.cmpi sgt, %select_n3A_317, %sign3A_323 : i32
    %sign3A_325 = arith.extui %sign3A_324 : i1 to i32
    %sign3A_326 = arith.constant 0 : i32
    %sign3A_327 = arith.cmpi slt, %select_n3A_317, %sign3A_326 : i32
    %sign3A_328 = arith.extui %sign3A_327 : i1 to i32
    %sign3A_329 = arith.subi %sign3A_325, %sign3A_328 : i32
    %sign3A_330 = arith.constant 0 : i32
    %sign3A_331 = arith.cmpi sgt, %jit3A_321, %sign3A_330 : i32
    %sign3A_332 = arith.extui %sign3A_331 : i1 to i32
    %sign3A_333 = arith.constant 0 : i32
    %sign3A_334 = arith.cmpi slt, %jit3A_321, %sign3A_333 : i32
    %sign3A_335 = arith.extui %sign3A_334 : i1 to i32
    %sign3A_336 = arith.subi %sign3A_332, %sign3A_335 : i32
    %ne3A_337 = arith.cmpi ne, %sign3A_329, %sign3A_336 : i32
    %rem3A_338 = arith.remsi %select_n3A_317, %jit3A_321 : i32
    %ne3A_339 = arith.constant 0 : i32
    %ne3A_340 = arith.cmpi ne, %rem3A_338, %ne3A_339 : i32
    %and3A_341 = arith.andi %ne3A_337, %ne3A_340 : i1
    %sub3A_342 = arith.constant 1 : i32
    %sub3A_343 = arith.subi %div3A_322, %sub3A_342 : i32
    %select_n3A_344 = arith.select %and3A_341, %sub3A_343, %div3A_322 : i32
    %mul3A_345 = arith.constant 9 : i32
    %mul3A_346 = arith.muli %select_n3A_344, %mul3A_345 : i32
    %sub3A_347 = arith.subi %select_n3A_317, %mul3A_346 : i32
    %mul3A_348 = arith.constant 576 : i32
    %mul3A_349 = arith.muli %select_n3A_344, %mul3A_348 : i32
    %mul3A_350 = arith.constant 64 : i32
    %mul3A_351 = arith.muli %sub3A_347, %mul3A_350 : i32
    %add3A_352 = arith.addi %mul3A_349, %mul3A_351 : i32
    %mul3A_353 = arith.constant 4 : i32
    %mul3A_354 = arith.muli %sub3A_320, %mul3A_353 : i32
    %add3A_355 = arith.addi %add3A_352, %mul3A_354 : i32
    %mul3A_356 = arith.constant 32 : i32
    %mul3A_357 = arith.muli %select_n3A_317, %mul3A_356 : i32
    %mul3A_358 = arith.constant 4 : i32
    %mul3A_359 = arith.muli %sub3A_320, %mul3A_358 : i32
    %add3A_360 = arith.addi %mul3A_357, %mul3A_359 : i32
    %dma_start3A_361 = arith.constant 0 : i32
    %dma_start3A_362 = tpu.memref_slice %arg2[%add3A_355, %dma_start3A_361] : memref<1152x1024xi32, #tpu.memory_space<hbm>> -> memref<4x1024xi32, #tpu.memory_space<hbm>>
    %dma_start3A_363 = arith.constant 0 : i32
    %dma_start3A_364 = tpu.memref_slice %arg2[%add3A_355, %dma_start3A_363] : memref<1152x1024xi32, #tpu.memory_space<hbm>> -> memref<4x1024xi32, #tpu.memory_space<hbm>>
    tpu.enqueue_dma source(%dma_start3A_364 : memref<4x1024xi32, #tpu.memory_space<hbm>>) target(%arg8 : memref<4x1024xi32, #tpu.memory_space<vmem>>) target_semaphore(%arg13 : memref<!tpu.dma_semaphore, #tpu.memory_space<semaphore_mem>>)
    %jit3A_365 = arith.constant 8 : i32
    %div3A_366 = arith.divsi %add3A_12, %jit3A_365 : i32
    %sign3A_367 = arith.constant 0 : i32
    %sign3A_368 = arith.cmpi sgt, %add3A_12, %sign3A_367 : i32
    %sign3A_369 = arith.extui %sign3A_368 : i1 to i32
    %sign3A_370 = arith.constant 0 : i32
    %sign3A_371 = arith.cmpi slt, %add3A_12, %sign3A_370 : i32
    %sign3A_372 = arith.extui %sign3A_371 : i1 to i32
    %sign3A_373 = arith.subi %sign3A_369, %sign3A_372 : i32
    %sign3A_374 = arith.constant 0 : i32
    %sign3A_375 = arith.cmpi sgt, %jit3A_365, %sign3A_374 : i32
    %sign3A_376 = arith.extui %sign3A_375 : i1 to i32
    %sign3A_377 = arith.constant 0 : i32
    %sign3A_378 = arith.cmpi slt, %jit3A_365, %sign3A_377 : i32
    %sign3A_379 = arith.extui %sign3A_378 : i1 to i32
    %sign3A_380 = arith.subi %sign3A_376, %sign3A_379 : i32
    %ne3A_381 = arith.cmpi ne, %sign3A_373, %sign3A_380 : i32
    %rem3A_382 = arith.remsi %add3A_12, %jit3A_365 : i32
    %ne3A_383 = arith.constant 0 : i32
    %ne3A_384 = arith.cmpi ne, %rem3A_382, %ne3A_383 : i32
    %and3A_385 = arith.andi %ne3A_381, %ne3A_384 : i1
    %sub3A_386 = arith.constant 1 : i32
    %sub3A_387 = arith.subi %div3A_366, %sub3A_386 : i32
    %select_n3A_388 = arith.select %and3A_385, %sub3A_387, %div3A_366 : i32
    %mul3A_389 = arith.constant 8 : i32
    %mul3A_390 = arith.muli %select_n3A_388, %mul3A_389 : i32
    %sub3A_391 = arith.subi %add3A_12, %mul3A_390 : i32
    %jit3A_392 = arith.constant 9 : i32
    %div3A_393 = arith.divsi %select_n3A_388, %jit3A_392 : i32
    %sign3A_394 = arith.constant 0 : i32
    %sign3A_395 = arith.cmpi sgt, %select_n3A_388, %sign3A_394 : i32
    %sign3A_396 = arith.extui %sign3A_395 : i1 to i32
    %sign3A_397 = arith.constant 0 : i32
    %sign3A_398 = arith.cmpi slt, %select_n3A_388, %sign3A_397 : i32
    %sign3A_399 = arith.extui %sign3A_398 : i1 to i32
    %sign3A_400 = arith.subi %sign3A_396, %sign3A_399 : i32
    %sign3A_401 = arith.constant 0 : i32
    %sign3A_402 = arith.cmpi sgt, %jit3A_392, %sign3A_401 : i32
    %sign3A_403 = arith.extui %sign3A_402 : i1 to i32
    %sign3A_404 = arith.constant 0 : i32
    %sign3A_405 = arith.cmpi slt, %jit3A_392, %sign3A_404 : i32
    %sign3A_406 = arith.extui %sign3A_405 : i1 to i32
    %sign3A_407 = arith.subi %sign3A_403, %sign3A_406 : i32
    %ne3A_408 = arith.cmpi ne, %sign3A_400, %sign3A_407 : i32
    %rem3A_409 = arith.remsi %select_n3A_388, %jit3A_392 : i32
    %ne3A_410 = arith.constant 0 : i32
    %ne3A_411 = arith.cmpi ne, %rem3A_409, %ne3A_410 : i32
    %and3A_412 = arith.andi %ne3A_408, %ne3A_411 : i1
    %sub3A_413 = arith.constant 1 : i32
    %sub3A_414 = arith.subi %div3A_393, %sub3A_413 : i32
    %select_n3A_415 = arith.select %and3A_412, %sub3A_414, %div3A_393 : i32
    %mul3A_416 = arith.constant 9 : i32
    %mul3A_417 = arith.muli %select_n3A_415, %mul3A_416 : i32
    %sub3A_418 = arith.subi %select_n3A_388, %mul3A_417 : i32
    %mul3A_419 = arith.constant 576 : i32
    %mul3A_420 = arith.muli %select_n3A_415, %mul3A_419 : i32
    %mul3A_421 = arith.constant 64 : i32
    %mul3A_422 = arith.muli %sub3A_418, %mul3A_421 : i32
    %add3A_423 = arith.addi %mul3A_420, %mul3A_422 : i32
    %mul3A_424 = arith.constant 4 : i32
    %mul3A_425 = arith.muli %sub3A_391, %mul3A_424 : i32
    %add3A_426 = arith.addi %add3A_423, %mul3A_425 : i32
    %mul3A_427 = arith.constant 32 : i32
    %mul3A_428 = arith.muli %select_n3A_388, %mul3A_427 : i32
    %mul3A_429 = arith.constant 4 : i32
    %mul3A_430 = arith.muli %sub3A_391, %mul3A_429 : i32
    %add3A_431 = arith.addi %mul3A_428, %mul3A_430 : i32
    %dma_start3A_432 = arith.constant 0 : i32
    %dma_start3A_433 = tpu.memref_slice %arg2[%add3A_426, %dma_start3A_432] : memref<1152x1024xi32, #tpu.memory_space<hbm>> -> memref<4x1024xi32, #tpu.memory_space<hbm>>
    %dma_start3A_434 = arith.constant 0 : i32
    %dma_start3A_435 = tpu.memref_slice %arg2[%add3A_426, %dma_start3A_434] : memref<1152x1024xi32, #tpu.memory_space<hbm>> -> memref<4x1024xi32, #tpu.memory_space<hbm>>
    tpu.enqueue_dma source(%dma_start3A_435 : memref<4x1024xi32, #tpu.memory_space<hbm>>) target(%arg9 : memref<4x1024xi32, #tpu.memory_space<vmem>>) target_semaphore(%arg13 : memref<!tpu.dma_semaphore, #tpu.memory_space<semaphore_mem>>)
    %jit3A_436 = arith.constant 8 : i32
    %div3A_437 = arith.divsi %add3A_14, %jit3A_436 : i32
    %sign3A_438 = arith.constant 0 : i32
    %sign3A_439 = arith.cmpi sgt, %add3A_14, %sign3A_438 : i32
    %sign3A_440 = arith.extui %sign3A_439 : i1 to i32
    %sign3A_441 = arith.constant 0 : i32
    %sign3A_442 = arith.cmpi slt, %add3A_14, %sign3A_441 : i32
    %sign3A_443 = arith.extui %sign3A_442 : i1 to i32
    %sign3A_444 = arith.subi %sign3A_440, %sign3A_443 : i32
    %sign3A_445 = arith.constant 0 : i32
    %sign3A_446 = arith.cmpi sgt, %jit3A_436, %sign3A_445 : i32
    %sign3A_447 = arith.extui %sign3A_446 : i1 to i32
    %sign3A_448 = arith.constant 0 : i32
    %sign3A_449 = arith.cmpi slt, %jit3A_436, %sign3A_448 : i32
    %sign3A_450 = arith.extui %sign3A_449 : i1 to i32
    %sign3A_451 = arith.subi %sign3A_447, %sign3A_450 : i32
    %ne3A_452 = arith.cmpi ne, %sign3A_444, %sign3A_451 : i32
    %rem3A_453 = arith.remsi %add3A_14, %jit3A_436 : i32
    %ne3A_454 = arith.constant 0 : i32
    %ne3A_455 = arith.cmpi ne, %rem3A_453, %ne3A_454 : i32
    %and3A_456 = arith.andi %ne3A_452, %ne3A_455 : i1
    %sub3A_457 = arith.constant 1 : i32
    %sub3A_458 = arith.subi %div3A_437, %sub3A_457 : i32
    %select_n3A_459 = arith.select %and3A_456, %sub3A_458, %div3A_437 : i32
    %mul3A_460 = arith.constant 8 : i32
    %mul3A_461 = arith.muli %select_n3A_459, %mul3A_460 : i32
    %sub3A_462 = arith.subi %add3A_14, %mul3A_461 : i32
    %jit3A_463 = arith.constant 9 : i32
    %div3A_464 = arith.divsi %select_n3A_459, %jit3A_463 : i32
    %sign3A_465 = arith.constant 0 : i32
    %sign3A_466 = arith.cmpi sgt, %select_n3A_459, %sign3A_465 : i32
    %sign3A_467 = arith.extui %sign3A_466 : i1 to i32
    %sign3A_468 = arith.constant 0 : i32
    %sign3A_469 = arith.cmpi slt, %select_n3A_459, %sign3A_468 : i32
    %sign3A_470 = arith.extui %sign3A_469 : i1 to i32
    %sign3A_471 = arith.subi %sign3A_467, %sign3A_470 : i32
    %sign3A_472 = arith.constant 0 : i32
    %sign3A_473 = arith.cmpi sgt, %jit3A_463, %sign3A_472 : i32
    %sign3A_474 = arith.extui %sign3A_473 : i1 to i32
    %sign3A_475 = arith.constant 0 : i32
    %sign3A_476 = arith.cmpi slt, %jit3A_463, %sign3A_475 : i32
    %sign3A_477 = arith.extui %sign3A_476 : i1 to i32
    %sign3A_478 = arith.subi %sign3A_474, %sign3A_477 : i32
    %ne3A_479 = arith.cmpi ne, %sign3A_471, %sign3A_478 : i32
    %rem3A_480 = arith.remsi %select_n3A_459, %jit3A_463 : i32
    %ne3A_481 = arith.constant 0 : i32
    %ne3A_482 = arith.cmpi ne, %rem3A_480, %ne3A_481 : i32
    %and3A_483 = arith.andi %ne3A_479, %ne3A_482 : i1
    %sub3A_484 = arith.constant 1 : i32
    %sub3A_485 = arith.subi %div3A_464, %sub3A_484 : i32
    %select_n3A_486 = arith.select %and3A_483, %sub3A_485, %div3A_464 : i32
    %mul3A_487 = arith.constant 9 : i32
    %mul3A_488 = arith.muli %select_n3A_486, %mul3A_487 : i32
    %sub3A_489 = arith.subi %select_n3A_459, %mul3A_488 : i32
    %mul3A_490 = arith.constant 576 : i32
    %mul3A_491 = arith.muli %select_n3A_486, %mul3A_490 : i32
    %mul3A_492 = arith.constant 64 : i32
    %mul3A_493 = arith.muli %sub3A_489, %mul3A_492 : i32
    %add3A_494 = arith.addi %mul3A_491, %mul3A_493 : i32
    %mul3A_495 = arith.constant 4 : i32
    %mul3A_496 = arith.muli %sub3A_462, %mul3A_495 : i32
    %add3A_497 = arith.addi %add3A_494, %mul3A_496 : i32
    %mul3A_498 = arith.constant 32 : i32
    %mul3A_499 = arith.muli %select_n3A_459, %mul3A_498 : i32
    %mul3A_500 = arith.constant 4 : i32
    %mul3A_501 = arith.muli %sub3A_462, %mul3A_500 : i32
    %add3A_502 = arith.addi %mul3A_499, %mul3A_501 : i32
    %dma_start3A_503 = arith.constant 0 : i32
    %dma_start3A_504 = tpu.memref_slice %arg2[%add3A_497, %dma_start3A_503] : memref<1152x1024xi32, #tpu.memory_space<hbm>> -> memref<4x1024xi32, #tpu.memory_space<hbm>>
    %dma_start3A_505 = arith.constant 0 : i32
    %dma_start3A_506 = tpu.memref_slice %arg2[%add3A_497, %dma_start3A_505] : memref<1152x1024xi32, #tpu.memory_space<hbm>> -> memref<4x1024xi32, #tpu.memory_space<hbm>>
    tpu.enqueue_dma source(%dma_start3A_506 : memref<4x1024xi32, #tpu.memory_space<hbm>>) target(%arg10 : memref<4x1024xi32, #tpu.memory_space<vmem>>) target_semaphore(%arg13 : memref<!tpu.dma_semaphore, #tpu.memory_space<semaphore_mem>>)
    %jit3A_507 = arith.constant 8 : i32
    %div3A_508 = arith.divsi %add3A_16, %jit3A_507 : i32
    %sign3A_509 = arith.constant 0 : i32
    %sign3A_510 = arith.cmpi sgt, %add3A_16, %sign3A_509 : i32
    %sign3A_511 = arith.extui %sign3A_510 : i1 to i32
    %sign3A_512 = arith.constant 0 : i32
    %sign3A_513 = arith.cmpi slt, %add3A_16, %sign3A_512 : i32
    %sign3A_514 = arith.extui %sign3A_513 : i1 to i32
    %sign3A_515 = arith.subi %sign3A_511, %sign3A_514 : i32
    %sign3A_516 = arith.constant 0 : i32
    %sign3A_517 = arith.cmpi sgt, %jit3A_507, %sign3A_516 : i32
    %sign3A_518 = arith.extui %sign3A_517 : i1 to i32
    %sign3A_519 = arith.constant 0 : i32
    %sign3A_520 = arith.cmpi slt, %jit3A_507, %sign3A_519 : i32
    %sign3A_521 = arith.extui %sign3A_520 : i1 to i32
    %sign3A_522 = arith.subi %sign3A_518, %sign3A_521 : i32
    %ne3A_523 = arith.cmpi ne, %sign3A_515, %sign3A_522 : i32
    %rem3A_524 = arith.remsi %add3A_16, %jit3A_507 : i32
    %ne3A_525 = arith.constant 0 : i32
    %ne3A_526 = arith.cmpi ne, %rem3A_524, %ne3A_525 : i32
    %and3A_527 = arith.andi %ne3A_523, %ne3A_526 : i1
    %sub3A_528 = arith.constant 1 : i32
    %sub3A_529 = arith.subi %div3A_508, %sub3A_528 : i32
    %select_n3A_530 = arith.select %and3A_527, %sub3A_529, %div3A_508 : i32
    %mul3A_531 = arith.constant 8 : i32
    %mul3A_532 = arith.muli %select_n3A_530, %mul3A_531 : i32
    %sub3A_533 = arith.subi %add3A_16, %mul3A_532 : i32
    %jit3A_534 = arith.constant 9 : i32
    %div3A_535 = arith.divsi %select_n3A_530, %jit3A_534 : i32
    %sign3A_536 = arith.constant 0 : i32
    %sign3A_537 = arith.cmpi sgt, %select_n3A_530, %sign3A_536 : i32
    %sign3A_538 = arith.extui %sign3A_537 : i1 to i32
    %sign3A_539 = arith.constant 0 : i32
    %sign3A_540 = arith.cmpi slt, %select_n3A_530, %sign3A_539 : i32
    %sign3A_541 = arith.extui %sign3A_540 : i1 to i32
    %sign3A_542 = arith.subi %sign3A_538, %sign3A_541 : i32
    %sign3A_543 = arith.constant 0 : i32
    %sign3A_544 = arith.cmpi sgt, %jit3A_534, %sign3A_543 : i32
    %sign3A_545 = arith.extui %sign3A_544 : i1 to i32
    %sign3A_546 = arith.constant 0 : i32
    %sign3A_547 = arith.cmpi slt, %jit3A_534, %sign3A_546 : i32
    %sign3A_548 = arith.extui %sign3A_547 : i1 to i32
    %sign3A_549 = arith.subi %sign3A_545, %sign3A_548 : i32
    %ne3A_550 = arith.cmpi ne, %sign3A_542, %sign3A_549 : i32
    %rem3A_551 = arith.remsi %select_n3A_530, %jit3A_534 : i32
    %ne3A_552 = arith.constant 0 : i32
    %ne3A_553 = arith.cmpi ne, %rem3A_551, %ne3A_552 : i32
    %and3A_554 = arith.andi %ne3A_550, %ne3A_553 : i1
    %sub3A_555 = arith.constant 1 : i32
    %sub3A_556 = arith.subi %div3A_535, %sub3A_555 : i32
    %select_n3A_557 = arith.select %and3A_554, %sub3A_556, %div3A_535 : i32
    %mul3A_558 = arith.constant 9 : i32
    %mul3A_559 = arith.muli %select_n3A_557, %mul3A_558 : i32
    %sub3A_560 = arith.subi %select_n3A_530, %mul3A_559 : i32
    %mul3A_561 = arith.constant 576 : i32
    %mul3A_562 = arith.muli %select_n3A_557, %mul3A_561 : i32
    %mul3A_563 = arith.constant 64 : i32
    %mul3A_564 = arith.muli %sub3A_560, %mul3A_563 : i32
    %add3A_565 = arith.addi %mul3A_562, %mul3A_564 : i32
    %mul3A_566 = arith.constant 4 : i32
    %mul3A_567 = arith.muli %sub3A_533, %mul3A_566 : i32
    %add3A_568 = arith.addi %add3A_565, %mul3A_567 : i32
    %mul3A_569 = arith.constant 32 : i32
    %mul3A_570 = arith.muli %select_n3A_530, %mul3A_569 : i32
    %mul3A_571 = arith.constant 4 : i32
    %mul3A_572 = arith.muli %sub3A_533, %mul3A_571 : i32
    %add3A_573 = arith.addi %mul3A_570, %mul3A_572 : i32
    %dma_start3A_574 = arith.constant 0 : i32
    %dma_start3A_575 = tpu.memref_slice %arg2[%add3A_568, %dma_start3A_574] : memref<1152x1024xi32, #tpu.memory_space<hbm>> -> memref<4x1024xi32, #tpu.memory_space<hbm>>
    %dma_start3A_576 = arith.constant 0 : i32
    %dma_start3A_577 = tpu.memref_slice %arg2[%add3A_568, %dma_start3A_576] : memref<1152x1024xi32, #tpu.memory_space<hbm>> -> memref<4x1024xi32, #tpu.memory_space<hbm>>
    tpu.enqueue_dma source(%dma_start3A_577 : memref<4x1024xi32, #tpu.memory_space<hbm>>) target(%arg11 : memref<4x1024xi32, #tpu.memory_space<vmem>>) target_semaphore(%arg13 : memref<!tpu.dma_semaphore, #tpu.memory_space<semaphore_mem>>)
    %jit3A_578 = arith.constant 8 : i32
    %div3A_579 = arith.divsi %add3A_18, %jit3A_578 : i32
    %sign3A_580 = arith.constant 0 : i32
    %sign3A_581 = arith.cmpi sgt, %add3A_18, %sign3A_580 : i32
    %sign3A_582 = arith.extui %sign3A_581 : i1 to i32
    %sign3A_583 = arith.constant 0 : i32
    %sign3A_584 = arith.cmpi slt, %add3A_18, %sign3A_583 : i32
    %sign3A_585 = arith.extui %sign3A_584 : i1 to i32
    %sign3A_586 = arith.subi %sign3A_582, %sign3A_585 : i32
    %sign3A_587 = arith.constant 0 : i32
    %sign3A_588 = arith.cmpi sgt, %jit3A_578, %sign3A_587 : i32
    %sign3A_589 = arith.extui %sign3A_588 : i1 to i32
    %sign3A_590 = arith.constant 0 : i32
    %sign3A_591 = arith.cmpi slt, %jit3A_578, %sign3A_590 : i32
    %sign3A_592 = arith.extui %sign3A_591 : i1 to i32
    %sign3A_593 = arith.subi %sign3A_589, %sign3A_592 : i32
    %ne3A_594 = arith.cmpi ne, %sign3A_586, %sign3A_593 : i32
    %rem3A_595 = arith.remsi %add3A_18, %jit3A_578 : i32
    %ne3A_596 = arith.constant 0 : i32
    %ne3A_597 = arith.cmpi ne, %rem3A_595, %ne3A_596 : i32
    %and3A_598 = arith.andi %ne3A_594, %ne3A_597 : i1
    %sub3A_599 = arith.constant 1 : i32
    %sub3A_600 = arith.subi %div3A_579, %sub3A_599 : i32
    %select_n3A_601 = arith.select %and3A_598, %sub3A_600, %div3A_579 : i32
    %mul3A_602 = arith.constant 8 : i32
    %mul3A_603 = arith.muli %select_n3A_601, %mul3A_602 : i32
    %sub3A_604 = arith.subi %add3A_18, %mul3A_603 : i32
    %jit3A_605 = arith.constant 9 : i32
    %div3A_606 = arith.divsi %select_n3A_601, %jit3A_605 : i32
    %sign3A_607 = arith.constant 0 : i32
    %sign3A_608 = arith.cmpi sgt, %select_n3A_601, %sign3A_607 : i32
    %sign3A_609 = arith.extui %sign3A_608 : i1 to i32
    %sign3A_610 = arith.constant 0 : i32
    %sign3A_611 = arith.cmpi slt, %select_n3A_601, %sign3A_610 : i32
    %sign3A_612 = arith.extui %sign3A_611 : i1 to i32
    %sign3A_613 = arith.subi %sign3A_609, %sign3A_612 : i32
    %sign3A_614 = arith.constant 0 : i32
    %sign3A_615 = arith.cmpi sgt, %jit3A_605, %sign3A_614 : i32
    %sign3A_616 = arith.extui %sign3A_615 : i1 to i32
    %sign3A_617 = arith.constant 0 : i32
    %sign3A_618 = arith.cmpi slt, %jit3A_605, %sign3A_617 : i32
    %sign3A_619 = arith.extui %sign3A_618 : i1 to i32
    %sign3A_620 = arith.subi %sign3A_616, %sign3A_619 : i32
    %ne3A_621 = arith.cmpi ne, %sign3A_613, %sign3A_620 : i32
    %rem3A_622 = arith.remsi %select_n3A_601, %jit3A_605 : i32
    %ne3A_623 = arith.constant 0 : i32
    %ne3A_624 = arith.cmpi ne, %rem3A_622, %ne3A_623 : i32
    %and3A_625 = arith.andi %ne3A_621, %ne3A_624 : i1
    %sub3A_626 = arith.constant 1 : i32
    %sub3A_627 = arith.subi %div3A_606, %sub3A_626 : i32
    %select_n3A_628 = arith.select %and3A_625, %sub3A_627, %div3A_606 : i32
    %mul3A_629 = arith.constant 9 : i32
    %mul3A_630 = arith.muli %select_n3A_628, %mul3A_629 : i32
    %sub3A_631 = arith.subi %select_n3A_601, %mul3A_630 : i32
    %mul3A_632 = arith.constant 576 : i32
    %mul3A_633 = arith.muli %select_n3A_628, %mul3A_632 : i32
    %mul3A_634 = arith.constant 64 : i32
    %mul3A_635 = arith.muli %sub3A_631, %mul3A_634 : i32
    %add3A_636 = arith.addi %mul3A_633, %mul3A_635 : i32
    %mul3A_637 = arith.constant 4 : i32
    %mul3A_638 = arith.muli %sub3A_604, %mul3A_637 : i32
    %add3A_639 = arith.addi %add3A_636, %mul3A_638 : i32
    %mul3A_640 = arith.constant 32 : i32
    %mul3A_641 = arith.muli %select_n3A_601, %mul3A_640 : i32
    %mul3A_642 = arith.constant 4 : i32
    %mul3A_643 = arith.muli %sub3A_604, %mul3A_642 : i32
    %add3A_644 = arith.addi %mul3A_641, %mul3A_643 : i32
    %dma_start3A_645 = arith.constant 0 : i32
    %dma_start3A_646 = tpu.memref_slice %arg2[%add3A_639, %dma_start3A_645] : memref<1152x1024xi32, #tpu.memory_space<hbm>> -> memref<4x1024xi32, #tpu.memory_space<hbm>>
    %dma_start3A_647 = arith.constant 0 : i32
    %dma_start3A_648 = tpu.memref_slice %arg2[%add3A_639, %dma_start3A_647] : memref<1152x1024xi32, #tpu.memory_space<hbm>> -> memref<4x1024xi32, #tpu.memory_space<hbm>>
    tpu.enqueue_dma source(%dma_start3A_648 : memref<4x1024xi32, #tpu.memory_space<hbm>>) target(%arg12 : memref<4x1024xi32, #tpu.memory_space<vmem>>) target_semaphore(%arg13 : memref<!tpu.dma_semaphore, #tpu.memory_space<semaphore_mem>>)
    %jit3A_649 = arith.constant 8 : i32
    %div3A_650 = arith.divsi %add3A_2, %jit3A_649 : i32
    %sign3A_651 = arith.constant 0 : i32
    %sign3A_652 = arith.cmpi sgt, %add3A_2, %sign3A_651 : i32
    %sign3A_653 = arith.extui %sign3A_652 : i1 to i32
    %sign3A_654 = arith.constant 0 : i32
    %sign3A_655 = arith.cmpi slt, %add3A_2, %sign3A_654 : i32
    %sign3A_656 = arith.extui %sign3A_655 : i1 to i32
    %sign3A_657 = arith.subi %sign3A_653, %sign3A_656 : i32
    %sign3A_658 = arith.constant 0 : i32
    %sign3A_659 = arith.cmpi sgt, %jit3A_649, %sign3A_658 : i32
    %sign3A_660 = arith.extui %sign3A_659 : i1 to i32
    %sign3A_661 = arith.constant 0 : i32
    %sign3A_662 = arith.cmpi slt, %jit3A_649, %sign3A_661 : i32
    %sign3A_663 = arith.extui %sign3A_662 : i1 to i32
    %sign3A_664 = arith.subi %sign3A_660, %sign3A_663 : i32
    %ne3A_665 = arith.cmpi ne, %sign3A_657, %sign3A_664 : i32
    %rem3A_666 = arith.remsi %add3A_2, %jit3A_649 : i32
    %ne3A_667 = arith.constant 0 : i32
    %ne3A_668 = arith.cmpi ne, %rem3A_666, %ne3A_667 : i32
    %and3A_669 = arith.andi %ne3A_665, %ne3A_668 : i1
    %sub3A_670 = arith.constant 1 : i32
    %sub3A_671 = arith.subi %div3A_650, %sub3A_670 : i32
    %select_n3A_672 = arith.select %and3A_669, %sub3A_671, %div3A_650 : i32
    %mul3A_673 = arith.constant 8 : i32
    %mul3A_674 = arith.muli %select_n3A_672, %mul3A_673 : i32
    %sub3A_675 = arith.subi %add3A_2, %mul3A_674 : i32
    %jit3A_676 = arith.constant 9 : i32
    %div3A_677 = arith.divsi %select_n3A_672, %jit3A_676 : i32
    %sign3A_678 = arith.constant 0 : i32
    %sign3A_679 = arith.cmpi sgt, %select_n3A_672, %sign3A_678 : i32
    %sign3A_680 = arith.extui %sign3A_679 : i1 to i32
    %sign3A_681 = arith.constant 0 : i32
    %sign3A_682 = arith.cmpi slt, %select_n3A_672, %sign3A_681 : i32
    %sign3A_683 = arith.extui %sign3A_682 : i1 to i32
    %sign3A_684 = arith.subi %sign3A_680, %sign3A_683 : i32
    %sign3A_685 = arith.constant 0 : i32
    %sign3A_686 = arith.cmpi sgt, %jit3A_676, %sign3A_685 : i32
    %sign3A_687 = arith.extui %sign3A_686 : i1 to i32
    %sign3A_688 = arith.constant 0 : i32
    %sign3A_689 = arith.cmpi slt, %jit3A_676, %sign3A_688 : i32
    %sign3A_690 = arith.extui %sign3A_689 : i1 to i32
    %sign3A_691 = arith.subi %sign3A_687, %sign3A_690 : i32
    %ne3A_692 = arith.cmpi ne, %sign3A_684, %sign3A_691 : i32
    %rem3A_693 = arith.remsi %select_n3A_672, %jit3A_676 : i32
    %ne3A_694 = arith.constant 0 : i32
    %ne3A_695 = arith.cmpi ne, %rem3A_693, %ne3A_694 : i32
    %and3A_696 = arith.andi %ne3A_692, %ne3A_695 : i1
    %sub3A_697 = arith.constant 1 : i32
    %sub3A_698 = arith.subi %div3A_677, %sub3A_697 : i32
    %select_n3A_699 = arith.select %and3A_696, %sub3A_698, %div3A_677 : i32
    %mul3A_700 = arith.constant 9 : i32
    %mul3A_701 = arith.muli %select_n3A_699, %mul3A_700 : i32
    %sub3A_702 = arith.subi %select_n3A_672, %mul3A_701 : i32
    %mul3A_703 = arith.constant 576 : i32
    %mul3A_704 = arith.muli %select_n3A_699, %mul3A_703 : i32
    %mul3A_705 = arith.constant 64 : i32
    %mul3A_706 = arith.muli %sub3A_702, %mul3A_705 : i32
    %add3A_707 = arith.addi %mul3A_704, %mul3A_706 : i32
    %mul3A_708 = arith.constant 4 : i32
    %mul3A_709 = arith.muli %sub3A_675, %mul3A_708 : i32
    %add3A_710 = arith.addi %add3A_707, %mul3A_709 : i32
    %mul3A_711 = arith.constant 32 : i32
    %mul3A_712 = arith.muli %select_n3A_672, %mul3A_711 : i32
    %mul3A_713 = arith.constant 4 : i32
    %mul3A_714 = arith.muli %sub3A_675, %mul3A_713 : i32
    %add3A_715 = arith.addi %mul3A_712, %mul3A_714 : i32
    %dma_wait3A = arith.constant 0 : i32
    %dma_wait3A_716 = tpu.memref_slice %arg2[%add3A_710, %dma_wait3A] : memref<1152x1024xi32, #tpu.memory_space<hbm>> -> memref<4x1024xi32, #tpu.memory_space<hbm>>
    %dma_wait3A_717 = arith.constant 0 : i32
    %dma_wait3A_718 = tpu.memref_slice %arg2[%add3A_710, %dma_wait3A_717] : memref<1152x1024xi32, #tpu.memory_space<hbm>> -> memref<4x1024xi32, #tpu.memory_space<hbm>>
    tpu.wait_dma2 semaphore(%arg13 : memref<!tpu.dma_semaphore, #tpu.memory_space<semaphore_mem>>) src(%dma_wait3A_718 : memref<4x1024xi32, #tpu.memory_space<hbm>>) dst(%arg4 : memref<4x1024xi32, #tpu.memory_space<vmem>>)
    %dma_start3A_719 = arith.constant 0 : i32
    %dma_start3A_720 = tpu.memref_slice %arg3[%add3A_715, %dma_start3A_719] : memref<576x1024xi32, #tpu.memory_space<hbm>> -> memref<4x1024xi32, #tpu.memory_space<hbm>>
    %dma_start3A_721 = arith.constant 0 : i32
    %dma_start3A_722 = tpu.memref_slice %arg3[%add3A_715, %dma_start3A_721] : memref<576x1024xi32, #tpu.memory_space<hbm>> -> memref<4x1024xi32, #tpu.memory_space<hbm>>
    tpu.enqueue_dma source(%arg4 : memref<4x1024xi32, #tpu.memory_space<vmem>>) target(%dma_start3A_722 : memref<4x1024xi32, #tpu.memory_space<hbm>>) target_semaphore(%arg14 : memref<!tpu.dma_semaphore, #tpu.memory_space<semaphore_mem>>)
    %jit3A_723 = arith.constant 8 : i32
    %div3A_724 = arith.divsi %add3A_4, %jit3A_723 : i32
    %sign3A_725 = arith.constant 0 : i32
    %sign3A_726 = arith.cmpi sgt, %add3A_4, %sign3A_725 : i32
    %sign3A_727 = arith.extui %sign3A_726 : i1 to i32
    %sign3A_728 = arith.constant 0 : i32
    %sign3A_729 = arith.cmpi slt, %add3A_4, %sign3A_728 : i32
    %sign3A_730 = arith.extui %sign3A_729 : i1 to i32
    %sign3A_731 = arith.subi %sign3A_727, %sign3A_730 : i32
    %sign3A_732 = arith.constant 0 : i32
    %sign3A_733 = arith.cmpi sgt, %jit3A_723, %sign3A_732 : i32
    %sign3A_734 = arith.extui %sign3A_733 : i1 to i32
    %sign3A_735 = arith.constant 0 : i32
    %sign3A_736 = arith.cmpi slt, %jit3A_723, %sign3A_735 : i32
    %sign3A_737 = arith.extui %sign3A_736 : i1 to i32
    %sign3A_738 = arith.subi %sign3A_734, %sign3A_737 : i32
    %ne3A_739 = arith.cmpi ne, %sign3A_731, %sign3A_738 : i32
    %rem3A_740 = arith.remsi %add3A_4, %jit3A_723 : i32
    %ne3A_741 = arith.constant 0 : i32
    %ne3A_742 = arith.cmpi ne, %rem3A_740, %ne3A_741 : i32
    %and3A_743 = arith.andi %ne3A_739, %ne3A_742 : i1
    %sub3A_744 = arith.constant 1 : i32
    %sub3A_745 = arith.subi %div3A_724, %sub3A_744 : i32
    %select_n3A_746 = arith.select %and3A_743, %sub3A_745, %div3A_724 : i32
    %mul3A_747 = arith.constant 8 : i32
    %mul3A_748 = arith.muli %select_n3A_746, %mul3A_747 : i32
    %sub3A_749 = arith.subi %add3A_4, %mul3A_748 : i32
    %jit3A_750 = arith.constant 9 : i32
    %div3A_751 = arith.divsi %select_n3A_746, %jit3A_750 : i32
    %sign3A_752 = arith.constant 0 : i32
    %sign3A_753 = arith.cmpi sgt, %select_n3A_746, %sign3A_752 : i32
    %sign3A_754 = arith.extui %sign3A_753 : i1 to i32
    %sign3A_755 = arith.constant 0 : i32
    %sign3A_756 = arith.cmpi slt, %select_n3A_746, %sign3A_755 : i32
    %sign3A_757 = arith.extui %sign3A_756 : i1 to i32
    %sign3A_758 = arith.subi %sign3A_754, %sign3A_757 : i32
    %sign3A_759 = arith.constant 0 : i32
    %sign3A_760 = arith.cmpi sgt, %jit3A_750, %sign3A_759 : i32
    %sign3A_761 = arith.extui %sign3A_760 : i1 to i32
    %sign3A_762 = arith.constant 0 : i32
    %sign3A_763 = arith.cmpi slt, %jit3A_750, %sign3A_762 : i32
    %sign3A_764 = arith.extui %sign3A_763 : i1 to i32
    %sign3A_765 = arith.subi %sign3A_761, %sign3A_764 : i32
    %ne3A_766 = arith.cmpi ne, %sign3A_758, %sign3A_765 : i32
    %rem3A_767 = arith.remsi %select_n3A_746, %jit3A_750 : i32
    %ne3A_768 = arith.constant 0 : i32
    %ne3A_769 = arith.cmpi ne, %rem3A_767, %ne3A_768 : i32
    %and3A_770 = arith.andi %ne3A_766, %ne3A_769 : i1
    %sub3A_771 = arith.constant 1 : i32
    %sub3A_772 = arith.subi %div3A_751, %sub3A_771 : i32
    %select_n3A_773 = arith.select %and3A_770, %sub3A_772, %div3A_751 : i32
    %mul3A_774 = arith.constant 9 : i32
    %mul3A_775 = arith.muli %select_n3A_773, %mul3A_774 : i32
    %sub3A_776 = arith.subi %select_n3A_746, %mul3A_775 : i32
    %mul3A_777 = arith.constant 576 : i32
    %mul3A_778 = arith.muli %select_n3A_773, %mul3A_777 : i32
    %mul3A_779 = arith.constant 64 : i32
    %mul3A_780 = arith.muli %sub3A_776, %mul3A_779 : i32
    %add3A_781 = arith.addi %mul3A_778, %mul3A_780 : i32
    %mul3A_782 = arith.constant 4 : i32
    %mul3A_783 = arith.muli %sub3A_749, %mul3A_782 : i32
    %add3A_784 = arith.addi %add3A_781, %mul3A_783 : i32
    %mul3A_785 = arith.constant 32 : i32
    %mul3A_786 = arith.muli %select_n3A_746, %mul3A_785 : i32
    %mul3A_787 = arith.constant 4 : i32
    %mul3A_788 = arith.muli %sub3A_749, %mul3A_787 : i32
    %add3A_789 = arith.addi %mul3A_786, %mul3A_788 : i32
    %dma_wait3A_790 = arith.constant 0 : i32
    %dma_wait3A_791 = tpu.memref_slice %arg2[%add3A_784, %dma_wait3A_790] : memref<1152x1024xi32, #tpu.memory_space<hbm>> -> memref<4x1024xi32, #tpu.memory_space<hbm>>
    %dma_wait3A_792 = arith.constant 0 : i32
    %dma_wait3A_793 = tpu.memref_slice %arg2[%add3A_784, %dma_wait3A_792] : memref<1152x1024xi32, #tpu.memory_space<hbm>> -> memref<4x1024xi32, #tpu.memory_space<hbm>>
    tpu.wait_dma2 semaphore(%arg13 : memref<!tpu.dma_semaphore, #tpu.memory_space<semaphore_mem>>) src(%dma_wait3A_793 : memref<4x1024xi32, #tpu.memory_space<hbm>>) dst(%arg5 : memref<4x1024xi32, #tpu.memory_space<vmem>>)
    %dma_start3A_794 = arith.constant 0 : i32
    %dma_start3A_795 = tpu.memref_slice %arg3[%add3A_789, %dma_start3A_794] : memref<576x1024xi32, #tpu.memory_space<hbm>> -> memref<4x1024xi32, #tpu.memory_space<hbm>>
    %dma_start3A_796 = arith.constant 0 : i32
    %dma_start3A_797 = tpu.memref_slice %arg3[%add3A_789, %dma_start3A_796] : memref<576x1024xi32, #tpu.memory_space<hbm>> -> memref<4x1024xi32, #tpu.memory_space<hbm>>
    tpu.enqueue_dma source(%arg5 : memref<4x1024xi32, #tpu.memory_space<vmem>>) target(%dma_start3A_797 : memref<4x1024xi32, #tpu.memory_space<hbm>>) target_semaphore(%arg14 : memref<!tpu.dma_semaphore, #tpu.memory_space<semaphore_mem>>)
    %jit3A_798 = arith.constant 8 : i32
    %div3A_799 = arith.divsi %add3A_6, %jit3A_798 : i32
    %sign3A_800 = arith.constant 0 : i32
    %sign3A_801 = arith.cmpi sgt, %add3A_6, %sign3A_800 : i32
    %sign3A_802 = arith.extui %sign3A_801 : i1 to i32
    %sign3A_803 = arith.constant 0 : i32
    %sign3A_804 = arith.cmpi slt, %add3A_6, %sign3A_803 : i32
    %sign3A_805 = arith.extui %sign3A_804 : i1 to i32
    %sign3A_806 = arith.subi %sign3A_802, %sign3A_805 : i32
    %sign3A_807 = arith.constant 0 : i32
    %sign3A_808 = arith.cmpi sgt, %jit3A_798, %sign3A_807 : i32
    %sign3A_809 = arith.extui %sign3A_808 : i1 to i32
    %sign3A_810 = arith.constant 0 : i32
    %sign3A_811 = arith.cmpi slt, %jit3A_798, %sign3A_810 : i32
    %sign3A_812 = arith.extui %sign3A_811 : i1 to i32
    %sign3A_813 = arith.subi %sign3A_809, %sign3A_812 : i32
    %ne3A_814 = arith.cmpi ne, %sign3A_806, %sign3A_813 : i32
    %rem3A_815 = arith.remsi %add3A_6, %jit3A_798 : i32
    %ne3A_816 = arith.constant 0 : i32
    %ne3A_817 = arith.cmpi ne, %rem3A_815, %ne3A_816 : i32
    %and3A_818 = arith.andi %ne3A_814, %ne3A_817 : i1
    %sub3A_819 = arith.constant 1 : i32
    %sub3A_820 = arith.subi %div3A_799, %sub3A_819 : i32
    %select_n3A_821 = arith.select %and3A_818, %sub3A_820, %div3A_799 : i32
    %mul3A_822 = arith.constant 8 : i32
    %mul3A_823 = arith.muli %select_n3A_821, %mul3A_822 : i32
    %sub3A_824 = arith.subi %add3A_6, %mul3A_823 : i32
    %jit3A_825 = arith.constant 9 : i32
    %div3A_826 = arith.divsi %select_n3A_821, %jit3A_825 : i32
    %sign3A_827 = arith.constant 0 : i32
    %sign3A_828 = arith.cmpi sgt, %select_n3A_821, %sign3A_827 : i32
    %sign3A_829 = arith.extui %sign3A_828 : i1 to i32
    %sign3A_830 = arith.constant 0 : i32
    %sign3A_831 = arith.cmpi slt, %select_n3A_821, %sign3A_830 : i32
    %sign3A_832 = arith.extui %sign3A_831 : i1 to i32
    %sign3A_833 = arith.subi %sign3A_829, %sign3A_832 : i32
    %sign3A_834 = arith.constant 0 : i32
    %sign3A_835 = arith.cmpi sgt, %jit3A_825, %sign3A_834 : i32
    %sign3A_836 = arith.extui %sign3A_835 : i1 to i32
    %sign3A_837 = arith.constant 0 : i32
    %sign3A_838 = arith.cmpi slt, %jit3A_825, %sign3A_837 : i32
    %sign3A_839 = arith.extui %sign3A_838 : i1 to i32
    %sign3A_840 = arith.subi %sign3A_836, %sign3A_839 : i32
    %ne3A_841 = arith.cmpi ne, %sign3A_833, %sign3A_840 : i32
    %rem3A_842 = arith.remsi %select_n3A_821, %jit3A_825 : i32
    %ne3A_843 = arith.constant 0 : i32
    %ne3A_844 = arith.cmpi ne, %rem3A_842, %ne3A_843 : i32
    %and3A_845 = arith.andi %ne3A_841, %ne3A_844 : i1
    %sub3A_846 = arith.constant 1 : i32
    %sub3A_847 = arith.subi %div3A_826, %sub3A_846 : i32
    %select_n3A_848 = arith.select %and3A_845, %sub3A_847, %div3A_826 : i32
    %mul3A_849 = arith.constant 9 : i32
    %mul3A_850 = arith.muli %select_n3A_848, %mul3A_849 : i32
    %sub3A_851 = arith.subi %select_n3A_821, %mul3A_850 : i32
    %mul3A_852 = arith.constant 576 : i32
    %mul3A_853 = arith.muli %select_n3A_848, %mul3A_852 : i32
    %mul3A_854 = arith.constant 64 : i32
    %mul3A_855 = arith.muli %sub3A_851, %mul3A_854 : i32
    %add3A_856 = arith.addi %mul3A_853, %mul3A_855 : i32
    %mul3A_857 = arith.constant 4 : i32
    %mul3A_858 = arith.muli %sub3A_824, %mul3A_857 : i32
    %add3A_859 = arith.addi %add3A_856, %mul3A_858 : i32
    %mul3A_860 = arith.constant 32 : i32
    %mul3A_861 = arith.muli %select_n3A_821, %mul3A_860 : i32
    %mul3A_862 = arith.constant 4 : i32
    %mul3A_863 = arith.muli %sub3A_824, %mul3A_862 : i32
    %add3A_864 = arith.addi %mul3A_861, %mul3A_863 : i32
    %dma_wait3A_865 = arith.constant 0 : i32
    %dma_wait3A_866 = tpu.memref_slice %arg2[%add3A_859, %dma_wait3A_865] : memref<1152x1024xi32, #tpu.memory_space<hbm>> -> memref<4x1024xi32, #tpu.memory_space<hbm>>
    %dma_wait3A_867 = arith.constant 0 : i32
    %dma_wait3A_868 = tpu.memref_slice %arg2[%add3A_859, %dma_wait3A_867] : memref<1152x1024xi32, #tpu.memory_space<hbm>> -> memref<4x1024xi32, #tpu.memory_space<hbm>>
    tpu.wait_dma2 semaphore(%arg13 : memref<!tpu.dma_semaphore, #tpu.memory_space<semaphore_mem>>) src(%dma_wait3A_868 : memref<4x1024xi32, #tpu.memory_space<hbm>>) dst(%arg6 : memref<4x1024xi32, #tpu.memory_space<vmem>>)
    %dma_start3A_869 = arith.constant 0 : i32
    %dma_start3A_870 = tpu.memref_slice %arg3[%add3A_864, %dma_start3A_869] : memref<576x1024xi32, #tpu.memory_space<hbm>> -> memref<4x1024xi32, #tpu.memory_space<hbm>>
    %dma_start3A_871 = arith.constant 0 : i32
    %dma_start3A_872 = tpu.memref_slice %arg3[%add3A_864, %dma_start3A_871] : memref<576x1024xi32, #tpu.memory_space<hbm>> -> memref<4x1024xi32, #tpu.memory_space<hbm>>
    tpu.enqueue_dma source(%arg6 : memref<4x1024xi32, #tpu.memory_space<vmem>>) target(%dma_start3A_872 : memref<4x1024xi32, #tpu.memory_space<hbm>>) target_semaphore(%arg14 : memref<!tpu.dma_semaphore, #tpu.memory_space<semaphore_mem>>)
    %jit3A_873 = arith.constant 8 : i32
    %div3A_874 = arith.divsi %add3A_8, %jit3A_873 : i32
    %sign3A_875 = arith.constant 0 : i32
    %sign3A_876 = arith.cmpi sgt, %add3A_8, %sign3A_875 : i32
    %sign3A_877 = arith.extui %sign3A_876 : i1 to i32
    %sign3A_878 = arith.constant 0 : i32
    %sign3A_879 = arith.cmpi slt, %add3A_8, %sign3A_878 : i32
    %sign3A_880 = arith.extui %sign3A_879 : i1 to i32
    %sign3A_881 = arith.subi %sign3A_877, %sign3A_880 : i32
    %sign3A_882 = arith.constant 0 : i32
    %sign3A_883 = arith.cmpi sgt, %jit3A_873, %sign3A_882 : i32
    %sign3A_884 = arith.extui %sign3A_883 : i1 to i32
    %sign3A_885 = arith.constant 0 : i32
    %sign3A_886 = arith.cmpi slt, %jit3A_873, %sign3A_885 : i32
    %sign3A_887 = arith.extui %sign3A_886 : i1 to i32
    %sign3A_888 = arith.subi %sign3A_884, %sign3A_887 : i32
    %ne3A_889 = arith.cmpi ne, %sign3A_881, %sign3A_888 : i32
    %rem3A_890 = arith.remsi %add3A_8, %jit3A_873 : i32
    %ne3A_891 = arith.constant 0 : i32
    %ne3A_892 = arith.cmpi ne, %rem3A_890, %ne3A_891 : i32
    %and3A_893 = arith.andi %ne3A_889, %ne3A_892 : i1
    %sub3A_894 = arith.constant 1 : i32
    %sub3A_895 = arith.subi %div3A_874, %sub3A_894 : i32
    %select_n3A_896 = arith.select %and3A_893, %sub3A_895, %div3A_874 : i32
    %mul3A_897 = arith.constant 8 : i32
    %mul3A_898 = arith.muli %select_n3A_896, %mul3A_897 : i32
    %sub3A_899 = arith.subi %add3A_8, %mul3A_898 : i32
    %jit3A_900 = arith.constant 9 : i32
    %div3A_901 = arith.divsi %select_n3A_896, %jit3A_900 : i32
    %sign3A_902 = arith.constant 0 : i32
    %sign3A_903 = arith.cmpi sgt, %select_n3A_896, %sign3A_902 : i32
    %sign3A_904 = arith.extui %sign3A_903 : i1 to i32
    %sign3A_905 = arith.constant 0 : i32
    %sign3A_906 = arith.cmpi slt, %select_n3A_896, %sign3A_905 : i32
    %sign3A_907 = arith.extui %sign3A_906 : i1 to i32
    %sign3A_908 = arith.subi %sign3A_904, %sign3A_907 : i32
    %sign3A_909 = arith.constant 0 : i32
    %sign3A_910 = arith.cmpi sgt, %jit3A_900, %sign3A_909 : i32
    %sign3A_911 = arith.extui %sign3A_910 : i1 to i32
    %sign3A_912 = arith.constant 0 : i32
    %sign3A_913 = arith.cmpi slt, %jit3A_900, %sign3A_912 : i32
    %sign3A_914 = arith.extui %sign3A_913 : i1 to i32
    %sign3A_915 = arith.subi %sign3A_911, %sign3A_914 : i32
    %ne3A_916 = arith.cmpi ne, %sign3A_908, %sign3A_915 : i32
    %rem3A_917 = arith.remsi %select_n3A_896, %jit3A_900 : i32
    %ne3A_918 = arith.constant 0 : i32
    %ne3A_919 = arith.cmpi ne, %rem3A_917, %ne3A_918 : i32
    %and3A_920 = arith.andi %ne3A_916, %ne3A_919 : i1
    %sub3A_921 = arith.constant 1 : i32
    %sub3A_922 = arith.subi %div3A_901, %sub3A_921 : i32
    %select_n3A_923 = arith.select %and3A_920, %sub3A_922, %div3A_901 : i32
    %mul3A_924 = arith.constant 9 : i32
    %mul3A_925 = arith.muli %select_n3A_923, %mul3A_924 : i32
    %sub3A_926 = arith.subi %select_n3A_896, %mul3A_925 : i32
    %mul3A_927 = arith.constant 576 : i32
    %mul3A_928 = arith.muli %select_n3A_923, %mul3A_927 : i32
    %mul3A_929 = arith.constant 64 : i32
    %mul3A_930 = arith.muli %sub3A_926, %mul3A_929 : i32
    %add3A_931 = arith.addi %mul3A_928, %mul3A_930 : i32
    %mul3A_932 = arith.constant 4 : i32
    %mul3A_933 = arith.muli %sub3A_899, %mul3A_932 : i32
    %add3A_934 = arith.addi %add3A_931, %mul3A_933 : i32
    %mul3A_935 = arith.constant 32 : i32
    %mul3A_936 = arith.muli %select_n3A_896, %mul3A_935 : i32
    %mul3A_937 = arith.constant 4 : i32
    %mul3A_938 = arith.muli %sub3A_899, %mul3A_937 : i32
    %add3A_939 = arith.addi %mul3A_936, %mul3A_938 : i32
    %dma_wait3A_940 = arith.constant 0 : i32
    %dma_wait3A_941 = tpu.memref_slice %arg2[%add3A_934, %dma_wait3A_940] : memref<1152x1024xi32, #tpu.memory_space<hbm>> -> memref<4x1024xi32, #tpu.memory_space<hbm>>
    %dma_wait3A_942 = arith.constant 0 : i32
    %dma_wait3A_943 = tpu.memref_slice %arg2[%add3A_934, %dma_wait3A_942] : memref<1152x1024xi32, #tpu.memory_space<hbm>> -> memref<4x1024xi32, #tpu.memory_space<hbm>>
    tpu.wait_dma2 semaphore(%arg13 : memref<!tpu.dma_semaphore, #tpu.memory_space<semaphore_mem>>) src(%dma_wait3A_943 : memref<4x1024xi32, #tpu.memory_space<hbm>>) dst(%arg7 : memref<4x1024xi32, #tpu.memory_space<vmem>>)
    %dma_start3A_944 = arith.constant 0 : i32
    %dma_start3A_945 = tpu.memref_slice %arg3[%add3A_939, %dma_start3A_944] : memref<576x1024xi32, #tpu.memory_space<hbm>> -> memref<4x1024xi32, #tpu.memory_space<hbm>>
    %dma_start3A_946 = arith.constant 0 : i32
    %dma_start3A_947 = tpu.memref_slice %arg3[%add3A_939, %dma_start3A_946] : memref<576x1024xi32, #tpu.memory_space<hbm>> -> memref<4x1024xi32, #tpu.memory_space<hbm>>
    tpu.enqueue_dma source(%arg7 : memref<4x1024xi32, #tpu.memory_space<vmem>>) target(%dma_start3A_947 : memref<4x1024xi32, #tpu.memory_space<hbm>>) target_semaphore(%arg14 : memref<!tpu.dma_semaphore, #tpu.memory_space<semaphore_mem>>)
    %jit3A_948 = arith.constant 8 : i32
    %div3A_949 = arith.divsi %add3A_10, %jit3A_948 : i32
    %sign3A_950 = arith.constant 0 : i32
    %sign3A_951 = arith.cmpi sgt, %add3A_10, %sign3A_950 : i32
    %sign3A_952 = arith.extui %sign3A_951 : i1 to i32
    %sign3A_953 = arith.constant 0 : i32
    %sign3A_954 = arith.cmpi slt, %add3A_10, %sign3A_953 : i32
    %sign3A_955 = arith.extui %sign3A_954 : i1 to i32
    %sign3A_956 = arith.subi %sign3A_952, %sign3A_955 : i32
    %sign3A_957 = arith.constant 0 : i32
    %sign3A_958 = arith.cmpi sgt, %jit3A_948, %sign3A_957 : i32
    %sign3A_959 = arith.extui %sign3A_958 : i1 to i32
    %sign3A_960 = arith.constant 0 : i32
    %sign3A_961 = arith.cmpi slt, %jit3A_948, %sign3A_960 : i32
    %sign3A_962 = arith.extui %sign3A_961 : i1 to i32
    %sign3A_963 = arith.subi %sign3A_959, %sign3A_962 : i32
    %ne3A_964 = arith.cmpi ne, %sign3A_956, %sign3A_963 : i32
    %rem3A_965 = arith.remsi %add3A_10, %jit3A_948 : i32
    %ne3A_966 = arith.constant 0 : i32
    %ne3A_967 = arith.cmpi ne, %rem3A_965, %ne3A_966 : i32
    %and3A_968 = arith.andi %ne3A_964, %ne3A_967 : i1
    %sub3A_969 = arith.constant 1 : i32
    %sub3A_970 = arith.subi %div3A_949, %sub3A_969 : i32
    %select_n3A_971 = arith.select %and3A_968, %sub3A_970, %div3A_949 : i32
    %mul3A_972 = arith.constant 8 : i32
    %mul3A_973 = arith.muli %select_n3A_971, %mul3A_972 : i32
    %sub3A_974 = arith.subi %add3A_10, %mul3A_973 : i32
    %jit3A_975 = arith.constant 9 : i32
    %div3A_976 = arith.divsi %select_n3A_971, %jit3A_975 : i32
    %sign3A_977 = arith.constant 0 : i32
    %sign3A_978 = arith.cmpi sgt, %select_n3A_971, %sign3A_977 : i32
    %sign3A_979 = arith.extui %sign3A_978 : i1 to i32
    %sign3A_980 = arith.constant 0 : i32
    %sign3A_981 = arith.cmpi slt, %select_n3A_971, %sign3A_980 : i32
    %sign3A_982 = arith.extui %sign3A_981 : i1 to i32
    %sign3A_983 = arith.subi %sign3A_979, %sign3A_982 : i32
    %sign3A_984 = arith.constant 0 : i32
    %sign3A_985 = arith.cmpi sgt, %jit3A_975, %sign3A_984 : i32
    %sign3A_986 = arith.extui %sign3A_985 : i1 to i32
    %sign3A_987 = arith.constant 0 : i32
    %sign3A_988 = arith.cmpi slt, %jit3A_975, %sign3A_987 : i32
    %sign3A_989 = arith.extui %sign3A_988 : i1 to i32
    %sign3A_990 = arith.subi %sign3A_986, %sign3A_989 : i32
    %ne3A_991 = arith.cmpi ne, %sign3A_983, %sign3A_990 : i32
    %rem3A_992 = arith.remsi %select_n3A_971, %jit3A_975 : i32
    %ne3A_993 = arith.constant 0 : i32
    %ne3A_994 = arith.cmpi ne, %rem3A_992, %ne3A_993 : i32
    %and3A_995 = arith.andi %ne3A_991, %ne3A_994 : i1
    %sub3A_996 = arith.constant 1 : i32
    %sub3A_997 = arith.subi %div3A_976, %sub3A_996 : i32
    %select_n3A_998 = arith.select %and3A_995, %sub3A_997, %div3A_976 : i32
    %mul3A_999 = arith.constant 9 : i32
    %mul3A_1000 = arith.muli %select_n3A_998, %mul3A_999 : i32
    %sub3A_1001 = arith.subi %select_n3A_971, %mul3A_1000 : i32
    %mul3A_1002 = arith.constant 576 : i32
    %mul3A_1003 = arith.muli %select_n3A_998, %mul3A_1002 : i32
    %mul3A_1004 = arith.constant 64 : i32
    %mul3A_1005 = arith.muli %sub3A_1001, %mul3A_1004 : i32
    %add3A_1006 = arith.addi %mul3A_1003, %mul3A_1005 : i32
    %mul3A_1007 = arith.constant 4 : i32
    %mul3A_1008 = arith.muli %sub3A_974, %mul3A_1007 : i32
    %add3A_1009 = arith.addi %add3A_1006, %mul3A_1008 : i32
    %mul3A_1010 = arith.constant 32 : i32
    %mul3A_1011 = arith.muli %select_n3A_971, %mul3A_1010 : i32
    %mul3A_1012 = arith.constant 4 : i32
    %mul3A_1013 = arith.muli %sub3A_974, %mul3A_1012 : i32
    %add3A_1014 = arith.addi %mul3A_1011, %mul3A_1013 : i32
    %dma_wait3A_1015 = arith.constant 0 : i32
    %dma_wait3A_1016 = tpu.memref_slice %arg2[%add3A_1009, %dma_wait3A_1015] : memref<1152x1024xi32, #tpu.memory_space<hbm>> -> memref<4x1024xi32, #tpu.memory_space<hbm>>
    %dma_wait3A_1017 = arith.constant 0 : i32
    %dma_wait3A_1018 = tpu.memref_slice %arg2[%add3A_1009, %dma_wait3A_1017] : memref<1152x1024xi32, #tpu.memory_space<hbm>> -> memref<4x1024xi32, #tpu.memory_space<hbm>>
    tpu.wait_dma2 semaphore(%arg13 : memref<!tpu.dma_semaphore, #tpu.memory_space<semaphore_mem>>) src(%dma_wait3A_1018 : memref<4x1024xi32, #tpu.memory_space<hbm>>) dst(%arg8 : memref<4x1024xi32, #tpu.memory_space<vmem>>)
    %dma_start3A_1019 = arith.constant 0 : i32
    %dma_start3A_1020 = tpu.memref_slice %arg3[%add3A_1014, %dma_start3A_1019] : memref<576x1024xi32, #tpu.memory_space<hbm>> -> memref<4x1024xi32, #tpu.memory_space<hbm>>
    %dma_start3A_1021 = arith.constant 0 : i32
    %dma_start3A_1022 = tpu.memref_slice %arg3[%add3A_1014, %dma_start3A_1021] : memref<576x1024xi32, #tpu.memory_space<hbm>> -> memref<4x1024xi32, #tpu.memory_space<hbm>>
    tpu.enqueue_dma source(%arg8 : memref<4x1024xi32, #tpu.memory_space<vmem>>) target(%dma_start3A_1022 : memref<4x1024xi32, #tpu.memory_space<hbm>>) target_semaphore(%arg14 : memref<!tpu.dma_semaphore, #tpu.memory_space<semaphore_mem>>)
    %jit3A_1023 = arith.constant 8 : i32
    %div3A_1024 = arith.divsi %add3A_12, %jit3A_1023 : i32
    %sign3A_1025 = arith.constant 0 : i32
    %sign3A_1026 = arith.cmpi sgt, %add3A_12, %sign3A_1025 : i32
    %sign3A_1027 = arith.extui %sign3A_1026 : i1 to i32
    %sign3A_1028 = arith.constant 0 : i32
    %sign3A_1029 = arith.cmpi slt, %add3A_12, %sign3A_1028 : i32
    %sign3A_1030 = arith.extui %sign3A_1029 : i1 to i32
    %sign3A_1031 = arith.subi %sign3A_1027, %sign3A_1030 : i32
    %sign3A_1032 = arith.constant 0 : i32
    %sign3A_1033 = arith.cmpi sgt, %jit3A_1023, %sign3A_1032 : i32
    %sign3A_1034 = arith.extui %sign3A_1033 : i1 to i32
    %sign3A_1035 = arith.constant 0 : i32
    %sign3A_1036 = arith.cmpi slt, %jit3A_1023, %sign3A_1035 : i32
    %sign3A_1037 = arith.extui %sign3A_1036 : i1 to i32
    %sign3A_1038 = arith.subi %sign3A_1034, %sign3A_1037 : i32
    %ne3A_1039 = arith.cmpi ne, %sign3A_1031, %sign3A_1038 : i32
    %rem3A_1040 = arith.remsi %add3A_12, %jit3A_1023 : i32
    %ne3A_1041 = arith.constant 0 : i32
    %ne3A_1042 = arith.cmpi ne, %rem3A_1040, %ne3A_1041 : i32
    %and3A_1043 = arith.andi %ne3A_1039, %ne3A_1042 : i1
    %sub3A_1044 = arith.constant 1 : i32
    %sub3A_1045 = arith.subi %div3A_1024, %sub3A_1044 : i32
    %select_n3A_1046 = arith.select %and3A_1043, %sub3A_1045, %div3A_1024 : i32
    %mul3A_1047 = arith.constant 8 : i32
    %mul3A_1048 = arith.muli %select_n3A_1046, %mul3A_1047 : i32
    %sub3A_1049 = arith.subi %add3A_12, %mul3A_1048 : i32
    %jit3A_1050 = arith.constant 9 : i32
    %div3A_1051 = arith.divsi %select_n3A_1046, %jit3A_1050 : i32
    %sign3A_1052 = arith.constant 0 : i32
    %sign3A_1053 = arith.cmpi sgt, %select_n3A_1046, %sign3A_1052 : i32
    %sign3A_1054 = arith.extui %sign3A_1053 : i1 to i32
    %sign3A_1055 = arith.constant 0 : i32
    %sign3A_1056 = arith.cmpi slt, %select_n3A_1046, %sign3A_1055 : i32
    %sign3A_1057 = arith.extui %sign3A_1056 : i1 to i32
    %sign3A_1058 = arith.subi %sign3A_1054, %sign3A_1057 : i32
    %sign3A_1059 = arith.constant 0 : i32
    %sign3A_1060 = arith.cmpi sgt, %jit3A_1050, %sign3A_1059 : i32
    %sign3A_1061 = arith.extui %sign3A_1060 : i1 to i32
    %sign3A_1062 = arith.constant 0 : i32
    %sign3A_1063 = arith.cmpi slt, %jit3A_1050, %sign3A_1062 : i32
    %sign3A_1064 = arith.extui %sign3A_1063 : i1 to i32
    %sign3A_1065 = arith.subi %sign3A_1061, %sign3A_1064 : i32
    %ne3A_1066 = arith.cmpi ne, %sign3A_1058, %sign3A_1065 : i32
    %rem3A_1067 = arith.remsi %select_n3A_1046, %jit3A_1050 : i32
    %ne3A_1068 = arith.constant 0 : i32
    %ne3A_1069 = arith.cmpi ne, %rem3A_1067, %ne3A_1068 : i32
    %and3A_1070 = arith.andi %ne3A_1066, %ne3A_1069 : i1
    %sub3A_1071 = arith.constant 1 : i32
    %sub3A_1072 = arith.subi %div3A_1051, %sub3A_1071 : i32
    %select_n3A_1073 = arith.select %and3A_1070, %sub3A_1072, %div3A_1051 : i32
    %mul3A_1074 = arith.constant 9 : i32
    %mul3A_1075 = arith.muli %select_n3A_1073, %mul3A_1074 : i32
    %sub3A_1076 = arith.subi %select_n3A_1046, %mul3A_1075 : i32
    %mul3A_1077 = arith.constant 576 : i32
    %mul3A_1078 = arith.muli %select_n3A_1073, %mul3A_1077 : i32
    %mul3A_1079 = arith.constant 64 : i32
    %mul3A_1080 = arith.muli %sub3A_1076, %mul3A_1079 : i32
    %add3A_1081 = arith.addi %mul3A_1078, %mul3A_1080 : i32
    %mul3A_1082 = arith.constant 4 : i32
    %mul3A_1083 = arith.muli %sub3A_1049, %mul3A_1082 : i32
    %add3A_1084 = arith.addi %add3A_1081, %mul3A_1083 : i32
    %mul3A_1085 = arith.constant 32 : i32
    %mul3A_1086 = arith.muli %select_n3A_1046, %mul3A_1085 : i32
    %mul3A_1087 = arith.constant 4 : i32
    %mul3A_1088 = arith.muli %sub3A_1049, %mul3A_1087 : i32
    %add3A_1089 = arith.addi %mul3A_1086, %mul3A_1088 : i32
    %dma_wait3A_1090 = arith.constant 0 : i32
    %dma_wait3A_1091 = tpu.memref_slice %arg2[%add3A_1084, %dma_wait3A_1090] : memref<1152x1024xi32, #tpu.memory_space<hbm>> -> memref<4x1024xi32, #tpu.memory_space<hbm>>
    %dma_wait3A_1092 = arith.constant 0 : i32
    %dma_wait3A_1093 = tpu.memref_slice %arg2[%add3A_1084, %dma_wait3A_1092] : memref<1152x1024xi32, #tpu.memory_space<hbm>> -> memref<4x1024xi32, #tpu.memory_space<hbm>>
    tpu.wait_dma2 semaphore(%arg13 : memref<!tpu.dma_semaphore, #tpu.memory_space<semaphore_mem>>) src(%dma_wait3A_1093 : memref<4x1024xi32, #tpu.memory_space<hbm>>) dst(%arg9 : memref<4x1024xi32, #tpu.memory_space<vmem>>)
    %dma_start3A_1094 = arith.constant 0 : i32
    %dma_start3A_1095 = tpu.memref_slice %arg3[%add3A_1089, %dma_start3A_1094] : memref<576x1024xi32, #tpu.memory_space<hbm>> -> memref<4x1024xi32, #tpu.memory_space<hbm>>
    %dma_start3A_1096 = arith.constant 0 : i32
    %dma_start3A_1097 = tpu.memref_slice %arg3[%add3A_1089, %dma_start3A_1096] : memref<576x1024xi32, #tpu.memory_space<hbm>> -> memref<4x1024xi32, #tpu.memory_space<hbm>>
    tpu.enqueue_dma source(%arg9 : memref<4x1024xi32, #tpu.memory_space<vmem>>) target(%dma_start3A_1097 : memref<4x1024xi32, #tpu.memory_space<hbm>>) target_semaphore(%arg14 : memref<!tpu.dma_semaphore, #tpu.memory_space<semaphore_mem>>)
    %jit3A_1098 = arith.constant 8 : i32
    %div3A_1099 = arith.divsi %add3A_14, %jit3A_1098 : i32
    %sign3A_1100 = arith.constant 0 : i32
    %sign3A_1101 = arith.cmpi sgt, %add3A_14, %sign3A_1100 : i32
    %sign3A_1102 = arith.extui %sign3A_1101 : i1 to i32
    %sign3A_1103 = arith.constant 0 : i32
    %sign3A_1104 = arith.cmpi slt, %add3A_14, %sign3A_1103 : i32
    %sign3A_1105 = arith.extui %sign3A_1104 : i1 to i32
    %sign3A_1106 = arith.subi %sign3A_1102, %sign3A_1105 : i32
    %sign3A_1107 = arith.constant 0 : i32
    %sign3A_1108 = arith.cmpi sgt, %jit3A_1098, %sign3A_1107 : i32
    %sign3A_1109 = arith.extui %sign3A_1108 : i1 to i32
    %sign3A_1110 = arith.constant 0 : i32
    %sign3A_1111 = arith.cmpi slt, %jit3A_1098, %sign3A_1110 : i32
    %sign3A_1112 = arith.extui %sign3A_1111 : i1 to i32
    %sign3A_1113 = arith.subi %sign3A_1109, %sign3A_1112 : i32
    %ne3A_1114 = arith.cmpi ne, %sign3A_1106, %sign3A_1113 : i32
    %rem3A_1115 = arith.remsi %add3A_14, %jit3A_1098 : i32
    %ne3A_1116 = arith.constant 0 : i32
    %ne3A_1117 = arith.cmpi ne, %rem3A_1115, %ne3A_1116 : i32
    %and3A_1118 = arith.andi %ne3A_1114, %ne3A_1117 : i1
    %sub3A_1119 = arith.constant 1 : i32
    %sub3A_1120 = arith.subi %div3A_1099, %sub3A_1119 : i32
    %select_n3A_1121 = arith.select %and3A_1118, %sub3A_1120, %div3A_1099 : i32
    %mul3A_1122 = arith.constant 8 : i32
    %mul3A_1123 = arith.muli %select_n3A_1121, %mul3A_1122 : i32
    %sub3A_1124 = arith.subi %add3A_14, %mul3A_1123 : i32
    %jit3A_1125 = arith.constant 9 : i32
    %div3A_1126 = arith.divsi %select_n3A_1121, %jit3A_1125 : i32
    %sign3A_1127 = arith.constant 0 : i32
    %sign3A_1128 = arith.cmpi sgt, %select_n3A_1121, %sign3A_1127 : i32
    %sign3A_1129 = arith.extui %sign3A_1128 : i1 to i32
    %sign3A_1130 = arith.constant 0 : i32
    %sign3A_1131 = arith.cmpi slt, %select_n3A_1121, %sign3A_1130 : i32
    %sign3A_1132 = arith.extui %sign3A_1131 : i1 to i32
    %sign3A_1133 = arith.subi %sign3A_1129, %sign3A_1132 : i32
    %sign3A_1134 = arith.constant 0 : i32
    %sign3A_1135 = arith.cmpi sgt, %jit3A_1125, %sign3A_1134 : i32
    %sign3A_1136 = arith.extui %sign3A_1135 : i1 to i32
    %sign3A_1137 = arith.constant 0 : i32
    %sign3A_1138 = arith.cmpi slt, %jit3A_1125, %sign3A_1137 : i32
    %sign3A_1139 = arith.extui %sign3A_1138 : i1 to i32
    %sign3A_1140 = arith.subi %sign3A_1136, %sign3A_1139 : i32
    %ne3A_1141 = arith.cmpi ne, %sign3A_1133, %sign3A_1140 : i32
    %rem3A_1142 = arith.remsi %select_n3A_1121, %jit3A_1125 : i32
    %ne3A_1143 = arith.constant 0 : i32
    %ne3A_1144 = arith.cmpi ne, %rem3A_1142, %ne3A_1143 : i32
    %and3A_1145 = arith.andi %ne3A_1141, %ne3A_1144 : i1
    %sub3A_1146 = arith.constant 1 : i32
    %sub3A_1147 = arith.subi %div3A_1126, %sub3A_1146 : i32
    %select_n3A_1148 = arith.select %and3A_1145, %sub3A_1147, %div3A_1126 : i32
    %mul3A_1149 = arith.constant 9 : i32
    %mul3A_1150 = arith.muli %select_n3A_1148, %mul3A_1149 : i32
    %sub3A_1151 = arith.subi %select_n3A_1121, %mul3A_1150 : i32
    %mul3A_1152 = arith.constant 576 : i32
    %mul3A_1153 = arith.muli %select_n3A_1148, %mul3A_1152 : i32
    %mul3A_1154 = arith.constant 64 : i32
    %mul3A_1155 = arith.muli %sub3A_1151, %mul3A_1154 : i32
    %add3A_1156 = arith.addi %mul3A_1153, %mul3A_1155 : i32
    %mul3A_1157 = arith.constant 4 : i32
    %mul3A_1158 = arith.muli %sub3A_1124, %mul3A_1157 : i32
    %add3A_1159 = arith.addi %add3A_1156, %mul3A_1158 : i32
    %mul3A_1160 = arith.constant 32 : i32
    %mul3A_1161 = arith.muli %select_n3A_1121, %mul3A_1160 : i32
    %mul3A_1162 = arith.constant 4 : i32
    %mul3A_1163 = arith.muli %sub3A_1124, %mul3A_1162 : i32
    %add3A_1164 = arith.addi %mul3A_1161, %mul3A_1163 : i32
    %dma_wait3A_1165 = arith.constant 0 : i32
    %dma_wait3A_1166 = tpu.memref_slice %arg2[%add3A_1159, %dma_wait3A_1165] : memref<1152x1024xi32, #tpu.memory_space<hbm>> -> memref<4x1024xi32, #tpu.memory_space<hbm>>
    %dma_wait3A_1167 = arith.constant 0 : i32
    %dma_wait3A_1168 = tpu.memref_slice %arg2[%add3A_1159, %dma_wait3A_1167] : memref<1152x1024xi32, #tpu.memory_space<hbm>> -> memref<4x1024xi32, #tpu.memory_space<hbm>>
    tpu.wait_dma2 semaphore(%arg13 : memref<!tpu.dma_semaphore, #tpu.memory_space<semaphore_mem>>) src(%dma_wait3A_1168 : memref<4x1024xi32, #tpu.memory_space<hbm>>) dst(%arg10 : memref<4x1024xi32, #tpu.memory_space<vmem>>)
    %dma_start3A_1169 = arith.constant 0 : i32
    %dma_start3A_1170 = tpu.memref_slice %arg3[%add3A_1164, %dma_start3A_1169] : memref<576x1024xi32, #tpu.memory_space<hbm>> -> memref<4x1024xi32, #tpu.memory_space<hbm>>
    %dma_start3A_1171 = arith.constant 0 : i32
    %dma_start3A_1172 = tpu.memref_slice %arg3[%add3A_1164, %dma_start3A_1171] : memref<576x1024xi32, #tpu.memory_space<hbm>> -> memref<4x1024xi32, #tpu.memory_space<hbm>>
    tpu.enqueue_dma source(%arg10 : memref<4x1024xi32, #tpu.memory_space<vmem>>) target(%dma_start3A_1172 : memref<4x1024xi32, #tpu.memory_space<hbm>>) target_semaphore(%arg14 : memref<!tpu.dma_semaphore, #tpu.memory_space<semaphore_mem>>)
    %jit3A_1173 = arith.constant 8 : i32
    %div3A_1174 = arith.divsi %add3A_16, %jit3A_1173 : i32
    %sign3A_1175 = arith.constant 0 : i32
    %sign3A_1176 = arith.cmpi sgt, %add3A_16, %sign3A_1175 : i32
    %sign3A_1177 = arith.extui %sign3A_1176 : i1 to i32
    %sign3A_1178 = arith.constant 0 : i32
    %sign3A_1179 = arith.cmpi slt, %add3A_16, %sign3A_1178 : i32
    %sign3A_1180 = arith.extui %sign3A_1179 : i1 to i32
    %sign3A_1181 = arith.subi %sign3A_1177, %sign3A_1180 : i32
    %sign3A_1182 = arith.constant 0 : i32
    %sign3A_1183 = arith.cmpi sgt, %jit3A_1173, %sign3A_1182 : i32
    %sign3A_1184 = arith.extui %sign3A_1183 : i1 to i32
    %sign3A_1185 = arith.constant 0 : i32
    %sign3A_1186 = arith.cmpi slt, %jit3A_1173, %sign3A_1185 : i32
    %sign3A_1187 = arith.extui %sign3A_1186 : i1 to i32
    %sign3A_1188 = arith.subi %sign3A_1184, %sign3A_1187 : i32
    %ne3A_1189 = arith.cmpi ne, %sign3A_1181, %sign3A_1188 : i32
    %rem3A_1190 = arith.remsi %add3A_16, %jit3A_1173 : i32
    %ne3A_1191 = arith.constant 0 : i32
    %ne3A_1192 = arith.cmpi ne, %rem3A_1190, %ne3A_1191 : i32
    %and3A_1193 = arith.andi %ne3A_1189, %ne3A_1192 : i1
    %sub3A_1194 = arith.constant 1 : i32
    %sub3A_1195 = arith.subi %div3A_1174, %sub3A_1194 : i32
    %select_n3A_1196 = arith.select %and3A_1193, %sub3A_1195, %div3A_1174 : i32
    %mul3A_1197 = arith.constant 8 : i32
    %mul3A_1198 = arith.muli %select_n3A_1196, %mul3A_1197 : i32
    %sub3A_1199 = arith.subi %add3A_16, %mul3A_1198 : i32
    %jit3A_1200 = arith.constant 9 : i32
    %div3A_1201 = arith.divsi %select_n3A_1196, %jit3A_1200 : i32
    %sign3A_1202 = arith.constant 0 : i32
    %sign3A_1203 = arith.cmpi sgt, %select_n3A_1196, %sign3A_1202 : i32
    %sign3A_1204 = arith.extui %sign3A_1203 : i1 to i32
    %sign3A_1205 = arith.constant 0 : i32
    %sign3A_1206 = arith.cmpi slt, %select_n3A_1196, %sign3A_1205 : i32
    %sign3A_1207 = arith.extui %sign3A_1206 : i1 to i32
    %sign3A_1208 = arith.subi %sign3A_1204, %sign3A_1207 : i32
    %sign3A_1209 = arith.constant 0 : i32
    %sign3A_1210 = arith.cmpi sgt, %jit3A_1200, %sign3A_1209 : i32
    %sign3A_1211 = arith.extui %sign3A_1210 : i1 to i32
    %sign3A_1212 = arith.constant 0 : i32
    %sign3A_1213 = arith.cmpi slt, %jit3A_1200, %sign3A_1212 : i32
    %sign3A_1214 = arith.extui %sign3A_1213 : i1 to i32
    %sign3A_1215 = arith.subi %sign3A_1211, %sign3A_1214 : i32
    %ne3A_1216 = arith.cmpi ne, %sign3A_1208, %sign3A_1215 : i32
    %rem3A_1217 = arith.remsi %select_n3A_1196, %jit3A_1200 : i32
    %ne3A_1218 = arith.constant 0 : i32
    %ne3A_1219 = arith.cmpi ne, %rem3A_1217, %ne3A_1218 : i32
    %and3A_1220 = arith.andi %ne3A_1216, %ne3A_1219 : i1
    %sub3A_1221 = arith.constant 1 : i32
    %sub3A_1222 = arith.subi %div3A_1201, %sub3A_1221 : i32
    %select_n3A_1223 = arith.select %and3A_1220, %sub3A_1222, %div3A_1201 : i32
    %mul3A_1224 = arith.constant 9 : i32
    %mul3A_1225 = arith.muli %select_n3A_1223, %mul3A_1224 : i32
    %sub3A_1226 = arith.subi %select_n3A_1196, %mul3A_1225 : i32
    %mul3A_1227 = arith.constant 576 : i32
    %mul3A_1228 = arith.muli %select_n3A_1223, %mul3A_1227 : i32
    %mul3A_1229 = arith.constant 64 : i32
    %mul3A_1230 = arith.muli %sub3A_1226, %mul3A_1229 : i32
    %add3A_1231 = arith.addi %mul3A_1228, %mul3A_1230 : i32
    %mul3A_1232 = arith.constant 4 : i32
    %mul3A_1233 = arith.muli %sub3A_1199, %mul3A_1232 : i32
    %add3A_1234 = arith.addi %add3A_1231, %mul3A_1233 : i32
    %mul3A_1235 = arith.constant 32 : i32
    %mul3A_1236 = arith.muli %select_n3A_1196, %mul3A_1235 : i32
    %mul3A_1237 = arith.constant 4 : i32
    %mul3A_1238 = arith.muli %sub3A_1199, %mul3A_1237 : i32
    %add3A_1239 = arith.addi %mul3A_1236, %mul3A_1238 : i32
    %dma_wait3A_1240 = arith.constant 0 : i32
    %dma_wait3A_1241 = tpu.memref_slice %arg2[%add3A_1234, %dma_wait3A_1240] : memref<1152x1024xi32, #tpu.memory_space<hbm>> -> memref<4x1024xi32, #tpu.memory_space<hbm>>
    %dma_wait3A_1242 = arith.constant 0 : i32
    %dma_wait3A_1243 = tpu.memref_slice %arg2[%add3A_1234, %dma_wait3A_1242] : memref<1152x1024xi32, #tpu.memory_space<hbm>> -> memref<4x1024xi32, #tpu.memory_space<hbm>>
    tpu.wait_dma2 semaphore(%arg13 : memref<!tpu.dma_semaphore, #tpu.memory_space<semaphore_mem>>) src(%dma_wait3A_1243 : memref<4x1024xi32, #tpu.memory_space<hbm>>) dst(%arg11 : memref<4x1024xi32, #tpu.memory_space<vmem>>)
    %dma_start3A_1244 = arith.constant 0 : i32
    %dma_start3A_1245 = tpu.memref_slice %arg3[%add3A_1239, %dma_start3A_1244] : memref<576x1024xi32, #tpu.memory_space<hbm>> -> memref<4x1024xi32, #tpu.memory_space<hbm>>
    %dma_start3A_1246 = arith.constant 0 : i32
    %dma_start3A_1247 = tpu.memref_slice %arg3[%add3A_1239, %dma_start3A_1246] : memref<576x1024xi32, #tpu.memory_space<hbm>> -> memref<4x1024xi32, #tpu.memory_space<hbm>>
    tpu.enqueue_dma source(%arg11 : memref<4x1024xi32, #tpu.memory_space<vmem>>) target(%dma_start3A_1247 : memref<4x1024xi32, #tpu.memory_space<hbm>>) target_semaphore(%arg14 : memref<!tpu.dma_semaphore, #tpu.memory_space<semaphore_mem>>)
    %jit3A_1248 = arith.constant 8 : i32
    %div3A_1249 = arith.divsi %add3A_18, %jit3A_1248 : i32
    %sign3A_1250 = arith.constant 0 : i32
    %sign3A_1251 = arith.cmpi sgt, %add3A_18, %sign3A_1250 : i32
    %sign3A_1252 = arith.extui %sign3A_1251 : i1 to i32
    %sign3A_1253 = arith.constant 0 : i32
    %sign3A_1254 = arith.cmpi slt, %add3A_18, %sign3A_1253 : i32
    %sign3A_1255 = arith.extui %sign3A_1254 : i1 to i32
    %sign3A_1256 = arith.subi %sign3A_1252, %sign3A_1255 : i32
    %sign3A_1257 = arith.constant 0 : i32
    %sign3A_1258 = arith.cmpi sgt, %jit3A_1248, %sign3A_1257 : i32
    %sign3A_1259 = arith.extui %sign3A_1258 : i1 to i32
    %sign3A_1260 = arith.constant 0 : i32
    %sign3A_1261 = arith.cmpi slt, %jit3A_1248, %sign3A_1260 : i32
    %sign3A_1262 = arith.extui %sign3A_1261 : i1 to i32
    %sign3A_1263 = arith.subi %sign3A_1259, %sign3A_1262 : i32
    %ne3A_1264 = arith.cmpi ne, %sign3A_1256, %sign3A_1263 : i32
    %rem3A_1265 = arith.remsi %add3A_18, %jit3A_1248 : i32
    %ne3A_1266 = arith.constant 0 : i32
    %ne3A_1267 = arith.cmpi ne, %rem3A_1265, %ne3A_1266 : i32
    %and3A_1268 = arith.andi %ne3A_1264, %ne3A_1267 : i1
    %sub3A_1269 = arith.constant 1 : i32
    %sub3A_1270 = arith.subi %div3A_1249, %sub3A_1269 : i32
    %select_n3A_1271 = arith.select %and3A_1268, %sub3A_1270, %div3A_1249 : i32
    %mul3A_1272 = arith.constant 8 : i32
    %mul3A_1273 = arith.muli %select_n3A_1271, %mul3A_1272 : i32
    %sub3A_1274 = arith.subi %add3A_18, %mul3A_1273 : i32
    %jit3A_1275 = arith.constant 9 : i32
    %div3A_1276 = arith.divsi %select_n3A_1271, %jit3A_1275 : i32
    %sign3A_1277 = arith.constant 0 : i32
    %sign3A_1278 = arith.cmpi sgt, %select_n3A_1271, %sign3A_1277 : i32
    %sign3A_1279 = arith.extui %sign3A_1278 : i1 to i32
    %sign3A_1280 = arith.constant 0 : i32
    %sign3A_1281 = arith.cmpi slt, %select_n3A_1271, %sign3A_1280 : i32
    %sign3A_1282 = arith.extui %sign3A_1281 : i1 to i32
    %sign3A_1283 = arith.subi %sign3A_1279, %sign3A_1282 : i32
    %sign3A_1284 = arith.constant 0 : i32
    %sign3A_1285 = arith.cmpi sgt, %jit3A_1275, %sign3A_1284 : i32
    %sign3A_1286 = arith.extui %sign3A_1285 : i1 to i32
    %sign3A_1287 = arith.constant 0 : i32
    %sign3A_1288 = arith.cmpi slt, %jit3A_1275, %sign3A_1287 : i32
    %sign3A_1289 = arith.extui %sign3A_1288 : i1 to i32
    %sign3A_1290 = arith.subi %sign3A_1286, %sign3A_1289 : i32
    %ne3A_1291 = arith.cmpi ne, %sign3A_1283, %sign3A_1290 : i32
    %rem3A_1292 = arith.remsi %select_n3A_1271, %jit3A_1275 : i32
    %ne3A_1293 = arith.constant 0 : i32
    %ne3A_1294 = arith.cmpi ne, %rem3A_1292, %ne3A_1293 : i32
    %and3A_1295 = arith.andi %ne3A_1291, %ne3A_1294 : i1
    %sub3A_1296 = arith.constant 1 : i32
    %sub3A_1297 = arith.subi %div3A_1276, %sub3A_1296 : i32
    %select_n3A_1298 = arith.select %and3A_1295, %sub3A_1297, %div3A_1276 : i32
    %mul3A_1299 = arith.constant 9 : i32
    %mul3A_1300 = arith.muli %select_n3A_1298, %mul3A_1299 : i32
    %sub3A_1301 = arith.subi %select_n3A_1271, %mul3A_1300 : i32
    %mul3A_1302 = arith.constant 576 : i32
    %mul3A_1303 = arith.muli %select_n3A_1298, %mul3A_1302 : i32
    %mul3A_1304 = arith.constant 64 : i32
    %mul3A_1305 = arith.muli %sub3A_1301, %mul3A_1304 : i32
    %add3A_1306 = arith.addi %mul3A_1303, %mul3A_1305 : i32
    %mul3A_1307 = arith.constant 4 : i32
    %mul3A_1308 = arith.muli %sub3A_1274, %mul3A_1307 : i32
    %add3A_1309 = arith.addi %add3A_1306, %mul3A_1308 : i32
    %mul3A_1310 = arith.constant 32 : i32
    %mul3A_1311 = arith.muli %select_n3A_1271, %mul3A_1310 : i32
    %mul3A_1312 = arith.constant 4 : i32
    %mul3A_1313 = arith.muli %sub3A_1274, %mul3A_1312 : i32
    %add3A_1314 = arith.addi %mul3A_1311, %mul3A_1313 : i32
    %dma_wait3A_1315 = arith.constant 0 : i32
    %dma_wait3A_1316 = tpu.memref_slice %arg2[%add3A_1309, %dma_wait3A_1315] : memref<1152x1024xi32, #tpu.memory_space<hbm>> -> memref<4x1024xi32, #tpu.memory_space<hbm>>
    %dma_wait3A_1317 = arith.constant 0 : i32
    %dma_wait3A_1318 = tpu.memref_slice %arg2[%add3A_1309, %dma_wait3A_1317] : memref<1152x1024xi32, #tpu.memory_space<hbm>> -> memref<4x1024xi32, #tpu.memory_space<hbm>>
    tpu.wait_dma2 semaphore(%arg13 : memref<!tpu.dma_semaphore, #tpu.memory_space<semaphore_mem>>) src(%dma_wait3A_1318 : memref<4x1024xi32, #tpu.memory_space<hbm>>) dst(%arg12 : memref<4x1024xi32, #tpu.memory_space<vmem>>)
    %dma_start3A_1319 = arith.constant 0 : i32
    %dma_start3A_1320 = tpu.memref_slice %arg3[%add3A_1314, %dma_start3A_1319] : memref<576x1024xi32, #tpu.memory_space<hbm>> -> memref<4x1024xi32, #tpu.memory_space<hbm>>
    %dma_start3A_1321 = arith.constant 0 : i32
    %dma_start3A_1322 = tpu.memref_slice %arg3[%add3A_1314, %dma_start3A_1321] : memref<576x1024xi32, #tpu.memory_space<hbm>> -> memref<4x1024xi32, #tpu.memory_space<hbm>>
    tpu.enqueue_dma source(%arg12 : memref<4x1024xi32, #tpu.memory_space<vmem>>) target(%dma_start3A_1322 : memref<4x1024xi32, #tpu.memory_space<hbm>>) target_semaphore(%arg14 : memref<!tpu.dma_semaphore, #tpu.memory_space<semaphore_mem>>)
    %jit3A_1323 = arith.constant 8 : i32
    %div3A_1324 = arith.divsi %add3A_2, %jit3A_1323 : i32
    %sign3A_1325 = arith.constant 0 : i32
    %sign3A_1326 = arith.cmpi sgt, %add3A_2, %sign3A_1325 : i32
    %sign3A_1327 = arith.extui %sign3A_1326 : i1 to i32
    %sign3A_1328 = arith.constant 0 : i32
    %sign3A_1329 = arith.cmpi slt, %add3A_2, %sign3A_1328 : i32
    %sign3A_1330 = arith.extui %sign3A_1329 : i1 to i32
    %sign3A_1331 = arith.subi %sign3A_1327, %sign3A_1330 : i32
    %sign3A_1332 = arith.constant 0 : i32
    %sign3A_1333 = arith.cmpi sgt, %jit3A_1323, %sign3A_1332 : i32
    %sign3A_1334 = arith.extui %sign3A_1333 : i1 to i32
    %sign3A_1335 = arith.constant 0 : i32
    %sign3A_1336 = arith.cmpi slt, %jit3A_1323, %sign3A_1335 : i32
    %sign3A_1337 = arith.extui %sign3A_1336 : i1 to i32
    %sign3A_1338 = arith.subi %sign3A_1334, %sign3A_1337 : i32
    %ne3A_1339 = arith.cmpi ne, %sign3A_1331, %sign3A_1338 : i32
    %rem3A_1340 = arith.remsi %add3A_2, %jit3A_1323 : i32
    %ne3A_1341 = arith.constant 0 : i32
    %ne3A_1342 = arith.cmpi ne, %rem3A_1340, %ne3A_1341 : i32
    %and3A_1343 = arith.andi %ne3A_1339, %ne3A_1342 : i1
    %sub3A_1344 = arith.constant 1 : i32
    %sub3A_1345 = arith.subi %div3A_1324, %sub3A_1344 : i32
    %select_n3A_1346 = arith.select %and3A_1343, %sub3A_1345, %div3A_1324 : i32
    %mul3A_1347 = arith.constant 8 : i32
    %mul3A_1348 = arith.muli %select_n3A_1346, %mul3A_1347 : i32
    %sub3A_1349 = arith.subi %add3A_2, %mul3A_1348 : i32
    %jit3A_1350 = arith.constant 9 : i32
    %div3A_1351 = arith.divsi %select_n3A_1346, %jit3A_1350 : i32
    %sign3A_1352 = arith.constant 0 : i32
    %sign3A_1353 = arith.cmpi sgt, %select_n3A_1346, %sign3A_1352 : i32
    %sign3A_1354 = arith.extui %sign3A_1353 : i1 to i32
    %sign3A_1355 = arith.constant 0 : i32
    %sign3A_1356 = arith.cmpi slt, %select_n3A_1346, %sign3A_1355 : i32
    %sign3A_1357 = arith.extui %sign3A_1356 : i1 to i32
    %sign3A_1358 = arith.subi %sign3A_1354, %sign3A_1357 : i32
    %sign3A_1359 = arith.constant 0 : i32
    %sign3A_1360 = arith.cmpi sgt, %jit3A_1350, %sign3A_1359 : i32
    %sign3A_1361 = arith.extui %sign3A_1360 : i1 to i32
    %sign3A_1362 = arith.constant 0 : i32
    %sign3A_1363 = arith.cmpi slt, %jit3A_1350, %sign3A_1362 : i32
    %sign3A_1364 = arith.extui %sign3A_1363 : i1 to i32
    %sign3A_1365 = arith.subi %sign3A_1361, %sign3A_1364 : i32
    %ne3A_1366 = arith.cmpi ne, %sign3A_1358, %sign3A_1365 : i32
    %rem3A_1367 = arith.remsi %select_n3A_1346, %jit3A_1350 : i32
    %ne3A_1368 = arith.constant 0 : i32
    %ne3A_1369 = arith.cmpi ne, %rem3A_1367, %ne3A_1368 : i32
    %and3A_1370 = arith.andi %ne3A_1366, %ne3A_1369 : i1
    %sub3A_1371 = arith.constant 1 : i32
    %sub3A_1372 = arith.subi %div3A_1351, %sub3A_1371 : i32
    %select_n3A_1373 = arith.select %and3A_1370, %sub3A_1372, %div3A_1351 : i32
    %mul3A_1374 = arith.constant 9 : i32
    %mul3A_1375 = arith.muli %select_n3A_1373, %mul3A_1374 : i32
    %sub3A_1376 = arith.subi %select_n3A_1346, %mul3A_1375 : i32
    %mul3A_1377 = arith.constant 576 : i32
    %mul3A_1378 = arith.muli %select_n3A_1373, %mul3A_1377 : i32
    %mul3A_1379 = arith.constant 64 : i32
    %mul3A_1380 = arith.muli %sub3A_1376, %mul3A_1379 : i32
    %add3A_1381 = arith.addi %mul3A_1378, %mul3A_1380 : i32
    %mul3A_1382 = arith.constant 4 : i32
    %mul3A_1383 = arith.muli %sub3A_1349, %mul3A_1382 : i32
    %add3A_1384 = arith.addi %add3A_1381, %mul3A_1383 : i32
    %mul3A_1385 = arith.constant 32 : i32
    %mul3A_1386 = arith.muli %select_n3A_1346, %mul3A_1385 : i32
    %mul3A_1387 = arith.constant 4 : i32
    %mul3A_1388 = arith.muli %sub3A_1349, %mul3A_1387 : i32
    %add3A_1389 = arith.addi %mul3A_1386, %mul3A_1388 : i32
    %dma_wait3A_1390 = arith.constant 0 : i32
    %dma_wait3A_1391 = tpu.memref_slice %arg3[%add3A_1389, %dma_wait3A_1390] : memref<576x1024xi32, #tpu.memory_space<hbm>> -> memref<4x1024xi32, #tpu.memory_space<hbm>>
    %dma_wait3A_1392 = arith.constant 0 : i32
    %dma_wait3A_1393 = tpu.memref_slice %arg3[%add3A_1389, %dma_wait3A_1392] : memref<576x1024xi32, #tpu.memory_space<hbm>> -> memref<4x1024xi32, #tpu.memory_space<hbm>>
    tpu.wait_dma2 semaphore(%arg14 : memref<!tpu.dma_semaphore, #tpu.memory_space<semaphore_mem>>) src(%arg4 : memref<4x1024xi32, #tpu.memory_space<vmem>>) dst(%dma_wait3A_1393 : memref<4x1024xi32, #tpu.memory_space<hbm>>)
    %jit3A_1394 = arith.constant 8 : i32
    %div3A_1395 = arith.divsi %add3A_4, %jit3A_1394 : i32
    %sign3A_1396 = arith.constant 0 : i32
    %sign3A_1397 = arith.cmpi sgt, %add3A_4, %sign3A_1396 : i32
    %sign3A_1398 = arith.extui %sign3A_1397 : i1 to i32
    %sign3A_1399 = arith.constant 0 : i32
    %sign3A_1400 = arith.cmpi slt, %add3A_4, %sign3A_1399 : i32
    %sign3A_1401 = arith.extui %sign3A_1400 : i1 to i32
    %sign3A_1402 = arith.subi %sign3A_1398, %sign3A_1401 : i32
    %sign3A_1403 = arith.constant 0 : i32
    %sign3A_1404 = arith.cmpi sgt, %jit3A_1394, %sign3A_1403 : i32
    %sign3A_1405 = arith.extui %sign3A_1404 : i1 to i32
    %sign3A_1406 = arith.constant 0 : i32
    %sign3A_1407 = arith.cmpi slt, %jit3A_1394, %sign3A_1406 : i32
    %sign3A_1408 = arith.extui %sign3A_1407 : i1 to i32
    %sign3A_1409 = arith.subi %sign3A_1405, %sign3A_1408 : i32
    %ne3A_1410 = arith.cmpi ne, %sign3A_1402, %sign3A_1409 : i32
    %rem3A_1411 = arith.remsi %add3A_4, %jit3A_1394 : i32
    %ne3A_1412 = arith.constant 0 : i32
    %ne3A_1413 = arith.cmpi ne, %rem3A_1411, %ne3A_1412 : i32
    %and3A_1414 = arith.andi %ne3A_1410, %ne3A_1413 : i1
    %sub3A_1415 = arith.constant 1 : i32
    %sub3A_1416 = arith.subi %div3A_1395, %sub3A_1415 : i32
    %select_n3A_1417 = arith.select %and3A_1414, %sub3A_1416, %div3A_1395 : i32
    %mul3A_1418 = arith.constant 8 : i32
    %mul3A_1419 = arith.muli %select_n3A_1417, %mul3A_1418 : i32
    %sub3A_1420 = arith.subi %add3A_4, %mul3A_1419 : i32
    %jit3A_1421 = arith.constant 9 : i32
    %div3A_1422 = arith.divsi %select_n3A_1417, %jit3A_1421 : i32
    %sign3A_1423 = arith.constant 0 : i32
    %sign3A_1424 = arith.cmpi sgt, %select_n3A_1417, %sign3A_1423 : i32
    %sign3A_1425 = arith.extui %sign3A_1424 : i1 to i32
    %sign3A_1426 = arith.constant 0 : i32
    %sign3A_1427 = arith.cmpi slt, %select_n3A_1417, %sign3A_1426 : i32
    %sign3A_1428 = arith.extui %sign3A_1427 : i1 to i32
    %sign3A_1429 = arith.subi %sign3A_1425, %sign3A_1428 : i32
    %sign3A_1430 = arith.constant 0 : i32
    %sign3A_1431 = arith.cmpi sgt, %jit3A_1421, %sign3A_1430 : i32
    %sign3A_1432 = arith.extui %sign3A_1431 : i1 to i32
    %sign3A_1433 = arith.constant 0 : i32
    %sign3A_1434 = arith.cmpi slt, %jit3A_1421, %sign3A_1433 : i32
    %sign3A_1435 = arith.extui %sign3A_1434 : i1 to i32
    %sign3A_1436 = arith.subi %sign3A_1432, %sign3A_1435 : i32
    %ne3A_1437 = arith.cmpi ne, %sign3A_1429, %sign3A_1436 : i32
    %rem3A_1438 = arith.remsi %select_n3A_1417, %jit3A_1421 : i32
    %ne3A_1439 = arith.constant 0 : i32
    %ne3A_1440 = arith.cmpi ne, %rem3A_1438, %ne3A_1439 : i32
    %and3A_1441 = arith.andi %ne3A_1437, %ne3A_1440 : i1
    %sub3A_1442 = arith.constant 1 : i32
    %sub3A_1443 = arith.subi %div3A_1422, %sub3A_1442 : i32
    %select_n3A_1444 = arith.select %and3A_1441, %sub3A_1443, %div3A_1422 : i32
    %mul3A_1445 = arith.constant 9 : i32
    %mul3A_1446 = arith.muli %select_n3A_1444, %mul3A_1445 : i32
    %sub3A_1447 = arith.subi %select_n3A_1417, %mul3A_1446 : i32
    %mul3A_1448 = arith.constant 576 : i32
    %mul3A_1449 = arith.muli %select_n3A_1444, %mul3A_1448 : i32
    %mul3A_1450 = arith.constant 64 : i32
    %mul3A_1451 = arith.muli %sub3A_1447, %mul3A_1450 : i32
    %add3A_1452 = arith.addi %mul3A_1449, %mul3A_1451 : i32
    %mul3A_1453 = arith.constant 4 : i32
    %mul3A_1454 = arith.muli %sub3A_1420, %mul3A_1453 : i32
    %add3A_1455 = arith.addi %add3A_1452, %mul3A_1454 : i32
    %mul3A_1456 = arith.constant 32 : i32
    %mul3A_1457 = arith.muli %select_n3A_1417, %mul3A_1456 : i32
    %mul3A_1458 = arith.constant 4 : i32
    %mul3A_1459 = arith.muli %sub3A_1420, %mul3A_1458 : i32
    %add3A_1460 = arith.addi %mul3A_1457, %mul3A_1459 : i32
    %dma_wait3A_1461 = arith.constant 0 : i32
    %dma_wait3A_1462 = tpu.memref_slice %arg3[%add3A_1460, %dma_wait3A_1461] : memref<576x1024xi32, #tpu.memory_space<hbm>> -> memref<4x1024xi32, #tpu.memory_space<hbm>>
    %dma_wait3A_1463 = arith.constant 0 : i32
    %dma_wait3A_1464 = tpu.memref_slice %arg3[%add3A_1460, %dma_wait3A_1463] : memref<576x1024xi32, #tpu.memory_space<hbm>> -> memref<4x1024xi32, #tpu.memory_space<hbm>>
    tpu.wait_dma2 semaphore(%arg14 : memref<!tpu.dma_semaphore, #tpu.memory_space<semaphore_mem>>) src(%arg5 : memref<4x1024xi32, #tpu.memory_space<vmem>>) dst(%dma_wait3A_1464 : memref<4x1024xi32, #tpu.memory_space<hbm>>)
    %jit3A_1465 = arith.constant 8 : i32
    %div3A_1466 = arith.divsi %add3A_6, %jit3A_1465 : i32
    %sign3A_1467 = arith.constant 0 : i32
    %sign3A_1468 = arith.cmpi sgt, %add3A_6, %sign3A_1467 : i32
    %sign3A_1469 = arith.extui %sign3A_1468 : i1 to i32
    %sign3A_1470 = arith.constant 0 : i32
    %sign3A_1471 = arith.cmpi slt, %add3A_6, %sign3A_1470 : i32
    %sign3A_1472 = arith.extui %sign3A_1471 : i1 to i32
    %sign3A_1473 = arith.subi %sign3A_1469, %sign3A_1472 : i32
    %sign3A_1474 = arith.constant 0 : i32
    %sign3A_1475 = arith.cmpi sgt, %jit3A_1465, %sign3A_1474 : i32
    %sign3A_1476 = arith.extui %sign3A_1475 : i1 to i32
    %sign3A_1477 = arith.constant 0 : i32
    %sign3A_1478 = arith.cmpi slt, %jit3A_1465, %sign3A_1477 : i32
    %sign3A_1479 = arith.extui %sign3A_1478 : i1 to i32
    %sign3A_1480 = arith.subi %sign3A_1476, %sign3A_1479 : i32
    %ne3A_1481 = arith.cmpi ne, %sign3A_1473, %sign3A_1480 : i32
    %rem3A_1482 = arith.remsi %add3A_6, %jit3A_1465 : i32
    %ne3A_1483 = arith.constant 0 : i32
    %ne3A_1484 = arith.cmpi ne, %rem3A_1482, %ne3A_1483 : i32
    %and3A_1485 = arith.andi %ne3A_1481, %ne3A_1484 : i1
    %sub3A_1486 = arith.constant 1 : i32
    %sub3A_1487 = arith.subi %div3A_1466, %sub3A_1486 : i32
    %select_n3A_1488 = arith.select %and3A_1485, %sub3A_1487, %div3A_1466 : i32
    %mul3A_1489 = arith.constant 8 : i32
    %mul3A_1490 = arith.muli %select_n3A_1488, %mul3A_1489 : i32
    %sub3A_1491 = arith.subi %add3A_6, %mul3A_1490 : i32
    %jit3A_1492 = arith.constant 9 : i32
    %div3A_1493 = arith.divsi %select_n3A_1488, %jit3A_1492 : i32
    %sign3A_1494 = arith.constant 0 : i32
    %sign3A_1495 = arith.cmpi sgt, %select_n3A_1488, %sign3A_1494 : i32
    %sign3A_1496 = arith.extui %sign3A_1495 : i1 to i32
    %sign3A_1497 = arith.constant 0 : i32
    %sign3A_1498 = arith.cmpi slt, %select_n3A_1488, %sign3A_1497 : i32
    %sign3A_1499 = arith.extui %sign3A_1498 : i1 to i32
    %sign3A_1500 = arith.subi %sign3A_1496, %sign3A_1499 : i32
    %sign3A_1501 = arith.constant 0 : i32
    %sign3A_1502 = arith.cmpi sgt, %jit3A_1492, %sign3A_1501 : i32
    %sign3A_1503 = arith.extui %sign3A_1502 : i1 to i32
    %sign3A_1504 = arith.constant 0 : i32
    %sign3A_1505 = arith.cmpi slt, %jit3A_1492, %sign3A_1504 : i32
    %sign3A_1506 = arith.extui %sign3A_1505 : i1 to i32
    %sign3A_1507 = arith.subi %sign3A_1503, %sign3A_1506 : i32
    %ne3A_1508 = arith.cmpi ne, %sign3A_1500, %sign3A_1507 : i32
    %rem3A_1509 = arith.remsi %select_n3A_1488, %jit3A_1492 : i32
    %ne3A_1510 = arith.constant 0 : i32
    %ne3A_1511 = arith.cmpi ne, %rem3A_1509, %ne3A_1510 : i32
    %and3A_1512 = arith.andi %ne3A_1508, %ne3A_1511 : i1
    %sub3A_1513 = arith.constant 1 : i32
    %sub3A_1514 = arith.subi %div3A_1493, %sub3A_1513 : i32
    %select_n3A_1515 = arith.select %and3A_1512, %sub3A_1514, %div3A_1493 : i32
    %mul3A_1516 = arith.constant 9 : i32
    %mul3A_1517 = arith.muli %select_n3A_1515, %mul3A_1516 : i32
    %sub3A_1518 = arith.subi %select_n3A_1488, %mul3A_1517 : i32
    %mul3A_1519 = arith.constant 576 : i32
    %mul3A_1520 = arith.muli %select_n3A_1515, %mul3A_1519 : i32
    %mul3A_1521 = arith.constant 64 : i32
    %mul3A_1522 = arith.muli %sub3A_1518, %mul3A_1521 : i32
    %add3A_1523 = arith.addi %mul3A_1520, %mul3A_1522 : i32
    %mul3A_1524 = arith.constant 4 : i32
    %mul3A_1525 = arith.muli %sub3A_1491, %mul3A_1524 : i32
    %add3A_1526 = arith.addi %add3A_1523, %mul3A_1525 : i32
    %mul3A_1527 = arith.constant 32 : i32
    %mul3A_1528 = arith.muli %select_n3A_1488, %mul3A_1527 : i32
    %mul3A_1529 = arith.constant 4 : i32
    %mul3A_1530 = arith.muli %sub3A_1491, %mul3A_1529 : i32
    %add3A_1531 = arith.addi %mul3A_1528, %mul3A_1530 : i32
    %dma_wait3A_1532 = arith.constant 0 : i32
    %dma_wait3A_1533 = tpu.memref_slice %arg3[%add3A_1531, %dma_wait3A_1532] : memref<576x1024xi32, #tpu.memory_space<hbm>> -> memref<4x1024xi32, #tpu.memory_space<hbm>>
    %dma_wait3A_1534 = arith.constant 0 : i32
    %dma_wait3A_1535 = tpu.memref_slice %arg3[%add3A_1531, %dma_wait3A_1534] : memref<576x1024xi32, #tpu.memory_space<hbm>> -> memref<4x1024xi32, #tpu.memory_space<hbm>>
    tpu.wait_dma2 semaphore(%arg14 : memref<!tpu.dma_semaphore, #tpu.memory_space<semaphore_mem>>) src(%arg6 : memref<4x1024xi32, #tpu.memory_space<vmem>>) dst(%dma_wait3A_1535 : memref<4x1024xi32, #tpu.memory_space<hbm>>)
    %jit3A_1536 = arith.constant 8 : i32
    %div3A_1537 = arith.divsi %add3A_8, %jit3A_1536 : i32
    %sign3A_1538 = arith.constant 0 : i32
    %sign3A_1539 = arith.cmpi sgt, %add3A_8, %sign3A_1538 : i32
    %sign3A_1540 = arith.extui %sign3A_1539 : i1 to i32
    %sign3A_1541 = arith.constant 0 : i32
    %sign3A_1542 = arith.cmpi slt, %add3A_8, %sign3A_1541 : i32
    %sign3A_1543 = arith.extui %sign3A_1542 : i1 to i32
    %sign3A_1544 = arith.subi %sign3A_1540, %sign3A_1543 : i32
    %sign3A_1545 = arith.constant 0 : i32
    %sign3A_1546 = arith.cmpi sgt, %jit3A_1536, %sign3A_1545 : i32
    %sign3A_1547 = arith.extui %sign3A_1546 : i1 to i32
    %sign3A_1548 = arith.constant 0 : i32
    %sign3A_1549 = arith.cmpi slt, %jit3A_1536, %sign3A_1548 : i32
    %sign3A_1550 = arith.extui %sign3A_1549 : i1 to i32
    %sign3A_1551 = arith.subi %sign3A_1547, %sign3A_1550 : i32
    %ne3A_1552 = arith.cmpi ne, %sign3A_1544, %sign3A_1551 : i32
    %rem3A_1553 = arith.remsi %add3A_8, %jit3A_1536 : i32
    %ne3A_1554 = arith.constant 0 : i32
    %ne3A_1555 = arith.cmpi ne, %rem3A_1553, %ne3A_1554 : i32
    %and3A_1556 = arith.andi %ne3A_1552, %ne3A_1555 : i1
    %sub3A_1557 = arith.constant 1 : i32
    %sub3A_1558 = arith.subi %div3A_1537, %sub3A_1557 : i32
    %select_n3A_1559 = arith.select %and3A_1556, %sub3A_1558, %div3A_1537 : i32
    %mul3A_1560 = arith.constant 8 : i32
    %mul3A_1561 = arith.muli %select_n3A_1559, %mul3A_1560 : i32
    %sub3A_1562 = arith.subi %add3A_8, %mul3A_1561 : i32
    %jit3A_1563 = arith.constant 9 : i32
    %div3A_1564 = arith.divsi %select_n3A_1559, %jit3A_1563 : i32
    %sign3A_1565 = arith.constant 0 : i32
    %sign3A_1566 = arith.cmpi sgt, %select_n3A_1559, %sign3A_1565 : i32
    %sign3A_1567 = arith.extui %sign3A_1566 : i1 to i32
    %sign3A_1568 = arith.constant 0 : i32
    %sign3A_1569 = arith.cmpi slt, %select_n3A_1559, %sign3A_1568 : i32
    %sign3A_1570 = arith.extui %sign3A_1569 : i1 to i32
    %sign3A_1571 = arith.subi %sign3A_1567, %sign3A_1570 : i32
    %sign3A_1572 = arith.constant 0 : i32
    %sign3A_1573 = arith.cmpi sgt, %jit3A_1563, %sign3A_1572 : i32
    %sign3A_1574 = arith.extui %sign3A_1573 : i1 to i32
    %sign3A_1575 = arith.constant 0 : i32
    %sign3A_1576 = arith.cmpi slt, %jit3A_1563, %sign3A_1575 : i32
    %sign3A_1577 = arith.extui %sign3A_1576 : i1 to i32
    %sign3A_1578 = arith.subi %sign3A_1574, %sign3A_1577 : i32
    %ne3A_1579 = arith.cmpi ne, %sign3A_1571, %sign3A_1578 : i32
    %rem3A_1580 = arith.remsi %select_n3A_1559, %jit3A_1563 : i32
    %ne3A_1581 = arith.constant 0 : i32
    %ne3A_1582 = arith.cmpi ne, %rem3A_1580, %ne3A_1581 : i32
    %and3A_1583 = arith.andi %ne3A_1579, %ne3A_1582 : i1
    %sub3A_1584 = arith.constant 1 : i32
    %sub3A_1585 = arith.subi %div3A_1564, %sub3A_1584 : i32
    %select_n3A_1586 = arith.select %and3A_1583, %sub3A_1585, %div3A_1564 : i32
    %mul3A_1587 = arith.constant 9 : i32
    %mul3A_1588 = arith.muli %select_n3A_1586, %mul3A_1587 : i32
    %sub3A_1589 = arith.subi %select_n3A_1559, %mul3A_1588 : i32
    %mul3A_1590 = arith.constant 576 : i32
    %mul3A_1591 = arith.muli %select_n3A_1586, %mul3A_1590 : i32
    %mul3A_1592 = arith.constant 64 : i32
    %mul3A_1593 = arith.muli %sub3A_1589, %mul3A_1592 : i32
    %add3A_1594 = arith.addi %mul3A_1591, %mul3A_1593 : i32
    %mul3A_1595 = arith.constant 4 : i32
    %mul3A_1596 = arith.muli %sub3A_1562, %mul3A_1595 : i32
    %add3A_1597 = arith.addi %add3A_1594, %mul3A_1596 : i32
    %mul3A_1598 = arith.constant 32 : i32
    %mul3A_1599 = arith.muli %select_n3A_1559, %mul3A_1598 : i32
    %mul3A_1600 = arith.constant 4 : i32
    %mul3A_1601 = arith.muli %sub3A_1562, %mul3A_1600 : i32
    %add3A_1602 = arith.addi %mul3A_1599, %mul3A_1601 : i32
    %dma_wait3A_1603 = arith.constant 0 : i32
    %dma_wait3A_1604 = tpu.memref_slice %arg3[%add3A_1602, %dma_wait3A_1603] : memref<576x1024xi32, #tpu.memory_space<hbm>> -> memref<4x1024xi32, #tpu.memory_space<hbm>>
    %dma_wait3A_1605 = arith.constant 0 : i32
    %dma_wait3A_1606 = tpu.memref_slice %arg3[%add3A_1602, %dma_wait3A_1605] : memref<576x1024xi32, #tpu.memory_space<hbm>> -> memref<4x1024xi32, #tpu.memory_space<hbm>>
    tpu.wait_dma2 semaphore(%arg14 : memref<!tpu.dma_semaphore, #tpu.memory_space<semaphore_mem>>) src(%arg7 : memref<4x1024xi32, #tpu.memory_space<vmem>>) dst(%dma_wait3A_1606 : memref<4x1024xi32, #tpu.memory_space<hbm>>)
    %jit3A_1607 = arith.constant 8 : i32
    %div3A_1608 = arith.divsi %add3A_10, %jit3A_1607 : i32
    %sign3A_1609 = arith.constant 0 : i32
    %sign3A_1610 = arith.cmpi sgt, %add3A_10, %sign3A_1609 : i32
    %sign3A_1611 = arith.extui %sign3A_1610 : i1 to i32
    %sign3A_1612 = arith.constant 0 : i32
    %sign3A_1613 = arith.cmpi slt, %add3A_10, %sign3A_1612 : i32
    %sign3A_1614 = arith.extui %sign3A_1613 : i1 to i32
    %sign3A_1615 = arith.subi %sign3A_1611, %sign3A_1614 : i32
    %sign3A_1616 = arith.constant 0 : i32
    %sign3A_1617 = arith.cmpi sgt, %jit3A_1607, %sign3A_1616 : i32
    %sign3A_1618 = arith.extui %sign3A_1617 : i1 to i32
    %sign3A_1619 = arith.constant 0 : i32
    %sign3A_1620 = arith.cmpi slt, %jit3A_1607, %sign3A_1619 : i32
    %sign3A_1621 = arith.extui %sign3A_1620 : i1 to i32
    %sign3A_1622 = arith.subi %sign3A_1618, %sign3A_1621 : i32
    %ne3A_1623 = arith.cmpi ne, %sign3A_1615, %sign3A_1622 : i32
    %rem3A_1624 = arith.remsi %add3A_10, %jit3A_1607 : i32
    %ne3A_1625 = arith.constant 0 : i32
    %ne3A_1626 = arith.cmpi ne, %rem3A_1624, %ne3A_1625 : i32
    %and3A_1627 = arith.andi %ne3A_1623, %ne3A_1626 : i1
    %sub3A_1628 = arith.constant 1 : i32
    %sub3A_1629 = arith.subi %div3A_1608, %sub3A_1628 : i32
    %select_n3A_1630 = arith.select %and3A_1627, %sub3A_1629, %div3A_1608 : i32
    %mul3A_1631 = arith.constant 8 : i32
    %mul3A_1632 = arith.muli %select_n3A_1630, %mul3A_1631 : i32
    %sub3A_1633 = arith.subi %add3A_10, %mul3A_1632 : i32
    %jit3A_1634 = arith.constant 9 : i32
    %div3A_1635 = arith.divsi %select_n3A_1630, %jit3A_1634 : i32
    %sign3A_1636 = arith.constant 0 : i32
    %sign3A_1637 = arith.cmpi sgt, %select_n3A_1630, %sign3A_1636 : i32
    %sign3A_1638 = arith.extui %sign3A_1637 : i1 to i32
    %sign3A_1639 = arith.constant 0 : i32
    %sign3A_1640 = arith.cmpi slt, %select_n3A_1630, %sign3A_1639 : i32
    %sign3A_1641 = arith.extui %sign3A_1640 : i1 to i32
    %sign3A_1642 = arith.subi %sign3A_1638, %sign3A_1641 : i32
    %sign3A_1643 = arith.constant 0 : i32
    %sign3A_1644 = arith.cmpi sgt, %jit3A_1634, %sign3A_1643 : i32
    %sign3A_1645 = arith.extui %sign3A_1644 : i1 to i32
    %sign3A_1646 = arith.constant 0 : i32
    %sign3A_1647 = arith.cmpi slt, %jit3A_1634, %sign3A_1646 : i32
    %sign3A_1648 = arith.extui %sign3A_1647 : i1 to i32
    %sign3A_1649 = arith.subi %sign3A_1645, %sign3A_1648 : i32
    %ne3A_1650 = arith.cmpi ne, %sign3A_1642, %sign3A_1649 : i32
    %rem3A_1651 = arith.remsi %select_n3A_1630, %jit3A_1634 : i32
    %ne3A_1652 = arith.constant 0 : i32
    %ne3A_1653 = arith.cmpi ne, %rem3A_1651, %ne3A_1652 : i32
    %and3A_1654 = arith.andi %ne3A_1650, %ne3A_1653 : i1
    %sub3A_1655 = arith.constant 1 : i32
    %sub3A_1656 = arith.subi %div3A_1635, %sub3A_1655 : i32
    %select_n3A_1657 = arith.select %and3A_1654, %sub3A_1656, %div3A_1635 : i32
    %mul3A_1658 = arith.constant 9 : i32
    %mul3A_1659 = arith.muli %select_n3A_1657, %mul3A_1658 : i32
    %sub3A_1660 = arith.subi %select_n3A_1630, %mul3A_1659 : i32
    %mul3A_1661 = arith.constant 576 : i32
    %mul3A_1662 = arith.muli %select_n3A_1657, %mul3A_1661 : i32
    %mul3A_1663 = arith.constant 64 : i32
    %mul3A_1664 = arith.muli %sub3A_1660, %mul3A_1663 : i32
    %add3A_1665 = arith.addi %mul3A_1662, %mul3A_1664 : i32
    %mul3A_1666 = arith.constant 4 : i32
    %mul3A_1667 = arith.muli %sub3A_1633, %mul3A_1666 : i32
    %add3A_1668 = arith.addi %add3A_1665, %mul3A_1667 : i32
    %mul3A_1669 = arith.constant 32 : i32
    %mul3A_1670 = arith.muli %select_n3A_1630, %mul3A_1669 : i32
    %mul3A_1671 = arith.constant 4 : i32
    %mul3A_1672 = arith.muli %sub3A_1633, %mul3A_1671 : i32
    %add3A_1673 = arith.addi %mul3A_1670, %mul3A_1672 : i32
    %dma_wait3A_1674 = arith.constant 0 : i32
    %dma_wait3A_1675 = tpu.memref_slice %arg3[%add3A_1673, %dma_wait3A_1674] : memref<576x1024xi32, #tpu.memory_space<hbm>> -> memref<4x1024xi32, #tpu.memory_space<hbm>>
    %dma_wait3A_1676 = arith.constant 0 : i32
    %dma_wait3A_1677 = tpu.memref_slice %arg3[%add3A_1673, %dma_wait3A_1676] : memref<576x1024xi32, #tpu.memory_space<hbm>> -> memref<4x1024xi32, #tpu.memory_space<hbm>>
    tpu.wait_dma2 semaphore(%arg14 : memref<!tpu.dma_semaphore, #tpu.memory_space<semaphore_mem>>) src(%arg8 : memref<4x1024xi32, #tpu.memory_space<vmem>>) dst(%dma_wait3A_1677 : memref<4x1024xi32, #tpu.memory_space<hbm>>)
    %jit3A_1678 = arith.constant 8 : i32
    %div3A_1679 = arith.divsi %add3A_12, %jit3A_1678 : i32
    %sign3A_1680 = arith.constant 0 : i32
    %sign3A_1681 = arith.cmpi sgt, %add3A_12, %sign3A_1680 : i32
    %sign3A_1682 = arith.extui %sign3A_1681 : i1 to i32
    %sign3A_1683 = arith.constant 0 : i32
    %sign3A_1684 = arith.cmpi slt, %add3A_12, %sign3A_1683 : i32
    %sign3A_1685 = arith.extui %sign3A_1684 : i1 to i32
    %sign3A_1686 = arith.subi %sign3A_1682, %sign3A_1685 : i32
    %sign3A_1687 = arith.constant 0 : i32
    %sign3A_1688 = arith.cmpi sgt, %jit3A_1678, %sign3A_1687 : i32
    %sign3A_1689 = arith.extui %sign3A_1688 : i1 to i32
    %sign3A_1690 = arith.constant 0 : i32
    %sign3A_1691 = arith.cmpi slt, %jit3A_1678, %sign3A_1690 : i32
    %sign3A_1692 = arith.extui %sign3A_1691 : i1 to i32
    %sign3A_1693 = arith.subi %sign3A_1689, %sign3A_1692 : i32
    %ne3A_1694 = arith.cmpi ne, %sign3A_1686, %sign3A_1693 : i32
    %rem3A_1695 = arith.remsi %add3A_12, %jit3A_1678 : i32
    %ne3A_1696 = arith.constant 0 : i32
    %ne3A_1697 = arith.cmpi ne, %rem3A_1695, %ne3A_1696 : i32
    %and3A_1698 = arith.andi %ne3A_1694, %ne3A_1697 : i1
    %sub3A_1699 = arith.constant 1 : i32
    %sub3A_1700 = arith.subi %div3A_1679, %sub3A_1699 : i32
    %select_n3A_1701 = arith.select %and3A_1698, %sub3A_1700, %div3A_1679 : i32
    %mul3A_1702 = arith.constant 8 : i32
    %mul3A_1703 = arith.muli %select_n3A_1701, %mul3A_1702 : i32
    %sub3A_1704 = arith.subi %add3A_12, %mul3A_1703 : i32
    %jit3A_1705 = arith.constant 9 : i32
    %div3A_1706 = arith.divsi %select_n3A_1701, %jit3A_1705 : i32
    %sign3A_1707 = arith.constant 0 : i32
    %sign3A_1708 = arith.cmpi sgt, %select_n3A_1701, %sign3A_1707 : i32
    %sign3A_1709 = arith.extui %sign3A_1708 : i1 to i32
    %sign3A_1710 = arith.constant 0 : i32
    %sign3A_1711 = arith.cmpi slt, %select_n3A_1701, %sign3A_1710 : i32
    %sign3A_1712 = arith.extui %sign3A_1711 : i1 to i32
    %sign3A_1713 = arith.subi %sign3A_1709, %sign3A_1712 : i32
    %sign3A_1714 = arith.constant 0 : i32
    %sign3A_1715 = arith.cmpi sgt, %jit3A_1705, %sign3A_1714 : i32
    %sign3A_1716 = arith.extui %sign3A_1715 : i1 to i32
    %sign3A_1717 = arith.constant 0 : i32
    %sign3A_1718 = arith.cmpi slt, %jit3A_1705, %sign3A_1717 : i32
    %sign3A_1719 = arith.extui %sign3A_1718 : i1 to i32
    %sign3A_1720 = arith.subi %sign3A_1716, %sign3A_1719 : i32
    %ne3A_1721 = arith.cmpi ne, %sign3A_1713, %sign3A_1720 : i32
    %rem3A_1722 = arith.remsi %select_n3A_1701, %jit3A_1705 : i32
    %ne3A_1723 = arith.constant 0 : i32
    %ne3A_1724 = arith.cmpi ne, %rem3A_1722, %ne3A_1723 : i32
    %and3A_1725 = arith.andi %ne3A_1721, %ne3A_1724 : i1
    %sub3A_1726 = arith.constant 1 : i32
    %sub3A_1727 = arith.subi %div3A_1706, %sub3A_1726 : i32
    %select_n3A_1728 = arith.select %and3A_1725, %sub3A_1727, %div3A_1706 : i32
    %mul3A_1729 = arith.constant 9 : i32
    %mul3A_1730 = arith.muli %select_n3A_1728, %mul3A_1729 : i32
    %sub3A_1731 = arith.subi %select_n3A_1701, %mul3A_1730 : i32
    %mul3A_1732 = arith.constant 576 : i32
    %mul3A_1733 = arith.muli %select_n3A_1728, %mul3A_1732 : i32
    %mul3A_1734 = arith.constant 64 : i32
    %mul3A_1735 = arith.muli %sub3A_1731, %mul3A_1734 : i32
    %add3A_1736 = arith.addi %mul3A_1733, %mul3A_1735 : i32
    %mul3A_1737 = arith.constant 4 : i32
    %mul3A_1738 = arith.muli %sub3A_1704, %mul3A_1737 : i32
    %add3A_1739 = arith.addi %add3A_1736, %mul3A_1738 : i32
    %mul3A_1740 = arith.constant 32 : i32
    %mul3A_1741 = arith.muli %select_n3A_1701, %mul3A_1740 : i32
    %mul3A_1742 = arith.constant 4 : i32
    %mul3A_1743 = arith.muli %sub3A_1704, %mul3A_1742 : i32
    %add3A_1744 = arith.addi %mul3A_1741, %mul3A_1743 : i32
    %dma_wait3A_1745 = arith.constant 0 : i32
    %dma_wait3A_1746 = tpu.memref_slice %arg3[%add3A_1744, %dma_wait3A_1745] : memref<576x1024xi32, #tpu.memory_space<hbm>> -> memref<4x1024xi32, #tpu.memory_space<hbm>>
    %dma_wait3A_1747 = arith.constant 0 : i32
    %dma_wait3A_1748 = tpu.memref_slice %arg3[%add3A_1744, %dma_wait3A_1747] : memref<576x1024xi32, #tpu.memory_space<hbm>> -> memref<4x1024xi32, #tpu.memory_space<hbm>>
    tpu.wait_dma2 semaphore(%arg14 : memref<!tpu.dma_semaphore, #tpu.memory_space<semaphore_mem>>) src(%arg9 : memref<4x1024xi32, #tpu.memory_space<vmem>>) dst(%dma_wait3A_1748 : memref<4x1024xi32, #tpu.memory_space<hbm>>)
    %jit3A_1749 = arith.constant 8 : i32
    %div3A_1750 = arith.divsi %add3A_14, %jit3A_1749 : i32
    %sign3A_1751 = arith.constant 0 : i32
    %sign3A_1752 = arith.cmpi sgt, %add3A_14, %sign3A_1751 : i32
    %sign3A_1753 = arith.extui %sign3A_1752 : i1 to i32
    %sign3A_1754 = arith.constant 0 : i32
    %sign3A_1755 = arith.cmpi slt, %add3A_14, %sign3A_1754 : i32
    %sign3A_1756 = arith.extui %sign3A_1755 : i1 to i32
    %sign3A_1757 = arith.subi %sign3A_1753, %sign3A_1756 : i32
    %sign3A_1758 = arith.constant 0 : i32
    %sign3A_1759 = arith.cmpi sgt, %jit3A_1749, %sign3A_1758 : i32
    %sign3A_1760 = arith.extui %sign3A_1759 : i1 to i32
    %sign3A_1761 = arith.constant 0 : i32
    %sign3A_1762 = arith.cmpi slt, %jit3A_1749, %sign3A_1761 : i32
    %sign3A_1763 = arith.extui %sign3A_1762 : i1 to i32
    %sign3A_1764 = arith.subi %sign3A_1760, %sign3A_1763 : i32
    %ne3A_1765 = arith.cmpi ne, %sign3A_1757, %sign3A_1764 : i32
    %rem3A_1766 = arith.remsi %add3A_14, %jit3A_1749 : i32
    %ne3A_1767 = arith.constant 0 : i32
    %ne3A_1768 = arith.cmpi ne, %rem3A_1766, %ne3A_1767 : i32
    %and3A_1769 = arith.andi %ne3A_1765, %ne3A_1768 : i1
    %sub3A_1770 = arith.constant 1 : i32
    %sub3A_1771 = arith.subi %div3A_1750, %sub3A_1770 : i32
    %select_n3A_1772 = arith.select %and3A_1769, %sub3A_1771, %div3A_1750 : i32
    %mul3A_1773 = arith.constant 8 : i32
    %mul3A_1774 = arith.muli %select_n3A_1772, %mul3A_1773 : i32
    %sub3A_1775 = arith.subi %add3A_14, %mul3A_1774 : i32
    %jit3A_1776 = arith.constant 9 : i32
    %div3A_1777 = arith.divsi %select_n3A_1772, %jit3A_1776 : i32
    %sign3A_1778 = arith.constant 0 : i32
    %sign3A_1779 = arith.cmpi sgt, %select_n3A_1772, %sign3A_1778 : i32
    %sign3A_1780 = arith.extui %sign3A_1779 : i1 to i32
    %sign3A_1781 = arith.constant 0 : i32
    %sign3A_1782 = arith.cmpi slt, %select_n3A_1772, %sign3A_1781 : i32
    %sign3A_1783 = arith.extui %sign3A_1782 : i1 to i32
    %sign3A_1784 = arith.subi %sign3A_1780, %sign3A_1783 : i32
    %sign3A_1785 = arith.constant 0 : i32
    %sign3A_1786 = arith.cmpi sgt, %jit3A_1776, %sign3A_1785 : i32
    %sign3A_1787 = arith.extui %sign3A_1786 : i1 to i32
    %sign3A_1788 = arith.constant 0 : i32
    %sign3A_1789 = arith.cmpi slt, %jit3A_1776, %sign3A_1788 : i32
    %sign3A_1790 = arith.extui %sign3A_1789 : i1 to i32
    %sign3A_1791 = arith.subi %sign3A_1787, %sign3A_1790 : i32
    %ne3A_1792 = arith.cmpi ne, %sign3A_1784, %sign3A_1791 : i32
    %rem3A_1793 = arith.remsi %select_n3A_1772, %jit3A_1776 : i32
    %ne3A_1794 = arith.constant 0 : i32
    %ne3A_1795 = arith.cmpi ne, %rem3A_1793, %ne3A_1794 : i32
    %and3A_1796 = arith.andi %ne3A_1792, %ne3A_1795 : i1
    %sub3A_1797 = arith.constant 1 : i32
    %sub3A_1798 = arith.subi %div3A_1777, %sub3A_1797 : i32
    %select_n3A_1799 = arith.select %and3A_1796, %sub3A_1798, %div3A_1777 : i32
    %mul3A_1800 = arith.constant 9 : i32
    %mul3A_1801 = arith.muli %select_n3A_1799, %mul3A_1800 : i32
    %sub3A_1802 = arith.subi %select_n3A_1772, %mul3A_1801 : i32
    %mul3A_1803 = arith.constant 576 : i32
    %mul3A_1804 = arith.muli %select_n3A_1799, %mul3A_1803 : i32
    %mul3A_1805 = arith.constant 64 : i32
    %mul3A_1806 = arith.muli %sub3A_1802, %mul3A_1805 : i32
    %add3A_1807 = arith.addi %mul3A_1804, %mul3A_1806 : i32
    %mul3A_1808 = arith.constant 4 : i32
    %mul3A_1809 = arith.muli %sub3A_1775, %mul3A_1808 : i32
    %add3A_1810 = arith.addi %add3A_1807, %mul3A_1809 : i32
    %mul3A_1811 = arith.constant 32 : i32
    %mul3A_1812 = arith.muli %select_n3A_1772, %mul3A_1811 : i32
    %mul3A_1813 = arith.constant 4 : i32
    %mul3A_1814 = arith.muli %sub3A_1775, %mul3A_1813 : i32
    %add3A_1815 = arith.addi %mul3A_1812, %mul3A_1814 : i32
    %dma_wait3A_1816 = arith.constant 0 : i32
    %dma_wait3A_1817 = tpu.memref_slice %arg3[%add3A_1815, %dma_wait3A_1816] : memref<576x1024xi32, #tpu.memory_space<hbm>> -> memref<4x1024xi32, #tpu.memory_space<hbm>>
    %dma_wait3A_1818 = arith.constant 0 : i32
    %dma_wait3A_1819 = tpu.memref_slice %arg3[%add3A_1815, %dma_wait3A_1818] : memref<576x1024xi32, #tpu.memory_space<hbm>> -> memref<4x1024xi32, #tpu.memory_space<hbm>>
    tpu.wait_dma2 semaphore(%arg14 : memref<!tpu.dma_semaphore, #tpu.memory_space<semaphore_mem>>) src(%arg10 : memref<4x1024xi32, #tpu.memory_space<vmem>>) dst(%dma_wait3A_1819 : memref<4x1024xi32, #tpu.memory_space<hbm>>)
    %jit3A_1820 = arith.constant 8 : i32
    %div3A_1821 = arith.divsi %add3A_16, %jit3A_1820 : i32
    %sign3A_1822 = arith.constant 0 : i32
    %sign3A_1823 = arith.cmpi sgt, %add3A_16, %sign3A_1822 : i32
    %sign3A_1824 = arith.extui %sign3A_1823 : i1 to i32
    %sign3A_1825 = arith.constant 0 : i32
    %sign3A_1826 = arith.cmpi slt, %add3A_16, %sign3A_1825 : i32
    %sign3A_1827 = arith.extui %sign3A_1826 : i1 to i32
    %sign3A_1828 = arith.subi %sign3A_1824, %sign3A_1827 : i32
    %sign3A_1829 = arith.constant 0 : i32
    %sign3A_1830 = arith.cmpi sgt, %jit3A_1820, %sign3A_1829 : i32
    %sign3A_1831 = arith.extui %sign3A_1830 : i1 to i32
    %sign3A_1832 = arith.constant 0 : i32
    %sign3A_1833 = arith.cmpi slt, %jit3A_1820, %sign3A_1832 : i32
    %sign3A_1834 = arith.extui %sign3A_1833 : i1 to i32
    %sign3A_1835 = arith.subi %sign3A_1831, %sign3A_1834 : i32
    %ne3A_1836 = arith.cmpi ne, %sign3A_1828, %sign3A_1835 : i32
    %rem3A_1837 = arith.remsi %add3A_16, %jit3A_1820 : i32
    %ne3A_1838 = arith.constant 0 : i32
    %ne3A_1839 = arith.cmpi ne, %rem3A_1837, %ne3A_1838 : i32
    %and3A_1840 = arith.andi %ne3A_1836, %ne3A_1839 : i1
    %sub3A_1841 = arith.constant 1 : i32
    %sub3A_1842 = arith.subi %div3A_1821, %sub3A_1841 : i32
    %select_n3A_1843 = arith.select %and3A_1840, %sub3A_1842, %div3A_1821 : i32
    %mul3A_1844 = arith.constant 8 : i32
    %mul3A_1845 = arith.muli %select_n3A_1843, %mul3A_1844 : i32
    %sub3A_1846 = arith.subi %add3A_16, %mul3A_1845 : i32
    %jit3A_1847 = arith.constant 9 : i32
    %div3A_1848 = arith.divsi %select_n3A_1843, %jit3A_1847 : i32
    %sign3A_1849 = arith.constant 0 : i32
    %sign3A_1850 = arith.cmpi sgt, %select_n3A_1843, %sign3A_1849 : i32
    %sign3A_1851 = arith.extui %sign3A_1850 : i1 to i32
    %sign3A_1852 = arith.constant 0 : i32
    %sign3A_1853 = arith.cmpi slt, %select_n3A_1843, %sign3A_1852 : i32
    %sign3A_1854 = arith.extui %sign3A_1853 : i1 to i32
    %sign3A_1855 = arith.subi %sign3A_1851, %sign3A_1854 : i32
    %sign3A_1856 = arith.constant 0 : i32
    %sign3A_1857 = arith.cmpi sgt, %jit3A_1847, %sign3A_1856 : i32
    %sign3A_1858 = arith.extui %sign3A_1857 : i1 to i32
    %sign3A_1859 = arith.constant 0 : i32
    %sign3A_1860 = arith.cmpi slt, %jit3A_1847, %sign3A_1859 : i32
    %sign3A_1861 = arith.extui %sign3A_1860 : i1 to i32
    %sign3A_1862 = arith.subi %sign3A_1858, %sign3A_1861 : i32
    %ne3A_1863 = arith.cmpi ne, %sign3A_1855, %sign3A_1862 : i32
    %rem3A_1864 = arith.remsi %select_n3A_1843, %jit3A_1847 : i32
    %ne3A_1865 = arith.constant 0 : i32
    %ne3A_1866 = arith.cmpi ne, %rem3A_1864, %ne3A_1865 : i32
    %and3A_1867 = arith.andi %ne3A_1863, %ne3A_1866 : i1
    %sub3A_1868 = arith.constant 1 : i32
    %sub3A_1869 = arith.subi %div3A_1848, %sub3A_1868 : i32
    %select_n3A_1870 = arith.select %and3A_1867, %sub3A_1869, %div3A_1848 : i32
    %mul3A_1871 = arith.constant 9 : i32
    %mul3A_1872 = arith.muli %select_n3A_1870, %mul3A_1871 : i32
    %sub3A_1873 = arith.subi %select_n3A_1843, %mul3A_1872 : i32
    %mul3A_1874 = arith.constant 576 : i32
    %mul3A_1875 = arith.muli %select_n3A_1870, %mul3A_1874 : i32
    %mul3A_1876 = arith.constant 64 : i32
    %mul3A_1877 = arith.muli %sub3A_1873, %mul3A_1876 : i32
    %add3A_1878 = arith.addi %mul3A_1875, %mul3A_1877 : i32
    %mul3A_1879 = arith.constant 4 : i32
    %mul3A_1880 = arith.muli %sub3A_1846, %mul3A_1879 : i32
    %add3A_1881 = arith.addi %add3A_1878, %mul3A_1880 : i32
    %mul3A_1882 = arith.constant 32 : i32
    %mul3A_1883 = arith.muli %select_n3A_1843, %mul3A_1882 : i32
    %mul3A_1884 = arith.constant 4 : i32
    %mul3A_1885 = arith.muli %sub3A_1846, %mul3A_1884 : i32
    %add3A_1886 = arith.addi %mul3A_1883, %mul3A_1885 : i32
    %dma_wait3A_1887 = arith.constant 0 : i32
    %dma_wait3A_1888 = tpu.memref_slice %arg3[%add3A_1886, %dma_wait3A_1887] : memref<576x1024xi32, #tpu.memory_space<hbm>> -> memref<4x1024xi32, #tpu.memory_space<hbm>>
    %dma_wait3A_1889 = arith.constant 0 : i32
    %dma_wait3A_1890 = tpu.memref_slice %arg3[%add3A_1886, %dma_wait3A_1889] : memref<576x1024xi32, #tpu.memory_space<hbm>> -> memref<4x1024xi32, #tpu.memory_space<hbm>>
    tpu.wait_dma2 semaphore(%arg14 : memref<!tpu.dma_semaphore, #tpu.memory_space<semaphore_mem>>) src(%arg11 : memref<4x1024xi32, #tpu.memory_space<vmem>>) dst(%dma_wait3A_1890 : memref<4x1024xi32, #tpu.memory_space<hbm>>)
    %jit3A_1891 = arith.constant 8 : i32
    %div3A_1892 = arith.divsi %add3A_18, %jit3A_1891 : i32
    %sign3A_1893 = arith.constant 0 : i32
    %sign3A_1894 = arith.cmpi sgt, %add3A_18, %sign3A_1893 : i32
    %sign3A_1895 = arith.extui %sign3A_1894 : i1 to i32
    %sign3A_1896 = arith.constant 0 : i32
    %sign3A_1897 = arith.cmpi slt, %add3A_18, %sign3A_1896 : i32
    %sign3A_1898 = arith.extui %sign3A_1897 : i1 to i32
    %sign3A_1899 = arith.subi %sign3A_1895, %sign3A_1898 : i32
    %sign3A_1900 = arith.constant 0 : i32
    %sign3A_1901 = arith.cmpi sgt, %jit3A_1891, %sign3A_1900 : i32
    %sign3A_1902 = arith.extui %sign3A_1901 : i1 to i32
    %sign3A_1903 = arith.constant 0 : i32
    %sign3A_1904 = arith.cmpi slt, %jit3A_1891, %sign3A_1903 : i32
    %sign3A_1905 = arith.extui %sign3A_1904 : i1 to i32
    %sign3A_1906 = arith.subi %sign3A_1902, %sign3A_1905 : i32
    %ne3A_1907 = arith.cmpi ne, %sign3A_1899, %sign3A_1906 : i32
    %rem3A_1908 = arith.remsi %add3A_18, %jit3A_1891 : i32
    %ne3A_1909 = arith.constant 0 : i32
    %ne3A_1910 = arith.cmpi ne, %rem3A_1908, %ne3A_1909 : i32
    %and3A_1911 = arith.andi %ne3A_1907, %ne3A_1910 : i1
    %sub3A_1912 = arith.constant 1 : i32
    %sub3A_1913 = arith.subi %div3A_1892, %sub3A_1912 : i32
    %select_n3A_1914 = arith.select %and3A_1911, %sub3A_1913, %div3A_1892 : i32
    %mul3A_1915 = arith.constant 8 : i32
    %mul3A_1916 = arith.muli %select_n3A_1914, %mul3A_1915 : i32
    %sub3A_1917 = arith.subi %add3A_18, %mul3A_1916 : i32
    %jit3A_1918 = arith.constant 9 : i32
    %div3A_1919 = arith.divsi %select_n3A_1914, %jit3A_1918 : i32
    %sign3A_1920 = arith.constant 0 : i32
    %sign3A_1921 = arith.cmpi sgt, %select_n3A_1914, %sign3A_1920 : i32
    %sign3A_1922 = arith.extui %sign3A_1921 : i1 to i32
    %sign3A_1923 = arith.constant 0 : i32
    %sign3A_1924 = arith.cmpi slt, %select_n3A_1914, %sign3A_1923 : i32
    %sign3A_1925 = arith.extui %sign3A_1924 : i1 to i32
    %sign3A_1926 = arith.subi %sign3A_1922, %sign3A_1925 : i32
    %sign3A_1927 = arith.constant 0 : i32
    %sign3A_1928 = arith.cmpi sgt, %jit3A_1918, %sign3A_1927 : i32
    %sign3A_1929 = arith.extui %sign3A_1928 : i1 to i32
    %sign3A_1930 = arith.constant 0 : i32
    %sign3A_1931 = arith.cmpi slt, %jit3A_1918, %sign3A_1930 : i32
    %sign3A_1932 = arith.extui %sign3A_1931 : i1 to i32
    %sign3A_1933 = arith.subi %sign3A_1929, %sign3A_1932 : i32
    %ne3A_1934 = arith.cmpi ne, %sign3A_1926, %sign3A_1933 : i32
    %rem3A_1935 = arith.remsi %select_n3A_1914, %jit3A_1918 : i32
    %ne3A_1936 = arith.constant 0 : i32
    %ne3A_1937 = arith.cmpi ne, %rem3A_1935, %ne3A_1936 : i32
    %and3A_1938 = arith.andi %ne3A_1934, %ne3A_1937 : i1
    %sub3A_1939 = arith.constant 1 : i32
    %sub3A_1940 = arith.subi %div3A_1919, %sub3A_1939 : i32
    %select_n3A_1941 = arith.select %and3A_1938, %sub3A_1940, %div3A_1919 : i32
    %mul3A_1942 = arith.constant 9 : i32
    %mul3A_1943 = arith.muli %select_n3A_1941, %mul3A_1942 : i32
    %sub3A_1944 = arith.subi %select_n3A_1914, %mul3A_1943 : i32
    %mul3A_1945 = arith.constant 576 : i32
    %mul3A_1946 = arith.muli %select_n3A_1941, %mul3A_1945 : i32
    %mul3A_1947 = arith.constant 64 : i32
    %mul3A_1948 = arith.muli %sub3A_1944, %mul3A_1947 : i32
    %add3A_1949 = arith.addi %mul3A_1946, %mul3A_1948 : i32
    %mul3A_1950 = arith.constant 4 : i32
    %mul3A_1951 = arith.muli %sub3A_1917, %mul3A_1950 : i32
    %add3A_1952 = arith.addi %add3A_1949, %mul3A_1951 : i32
    %mul3A_1953 = arith.constant 32 : i32
    %mul3A_1954 = arith.muli %select_n3A_1914, %mul3A_1953 : i32
    %mul3A_1955 = arith.constant 4 : i32
    %mul3A_1956 = arith.muli %sub3A_1917, %mul3A_1955 : i32
    %add3A_1957 = arith.addi %mul3A_1954, %mul3A_1956 : i32
    %dma_wait3A_1958 = arith.constant 0 : i32
    %dma_wait3A_1959 = tpu.memref_slice %arg3[%add3A_1957, %dma_wait3A_1958] : memref<576x1024xi32, #tpu.memory_space<hbm>> -> memref<4x1024xi32, #tpu.memory_space<hbm>>
    %dma_wait3A_1960 = arith.constant 0 : i32
    %dma_wait3A_1961 = tpu.memref_slice %arg3[%add3A_1957, %dma_wait3A_1960] : memref<576x1024xi32, #tpu.memory_space<hbm>> -> memref<4x1024xi32, #tpu.memory_space<hbm>>
    tpu.wait_dma2 semaphore(%arg14 : memref<!tpu.dma_semaphore, #tpu.memory_space<semaphore_mem>>) src(%arg12 : memref<4x1024xi32, #tpu.memory_space<vmem>>) dst(%dma_wait3A_1961 : memref<4x1024xi32, #tpu.memory_space<hbm>>)
    return
  }
}

</mosaic_0001>

<sc_bundles>
// kernel: kernel.3.cloned.1.call-start
scs
__scs_entry_jumppad:
0x0: {  	(pc) =	sbr.rel $0x88, $3  }
0x1: {  	(tag) =	ssettag $0x0;
	lr =	simm.s32 $0x1  }
0x2: {  	[smem:$0x3FA0] =	sst lr;
	_ =	strace $0xD0000000  }
0x3: {  	_ = 	snop  }
0x4: {  	_ = 	snop  }
0x5: {  	_ = 	snop  }
0x6: {  	_ = 	snop  }
0x7: {  	_ = 	snop  }
__scs_overlays_trampoline_lowered:
0x8: {  	[smem:$0x3FAF] =	sst s0  }
0x9: {  	[smem:$0x3FB0] =	sst s1  }
0xa: {  	[smem:$0x3FB1] =	sst s2  }
0xb: {  	[smem:$0x3FB2] =	sst s3  }
0xc: {  	[smem:$0x3FB3] =	sst s4  }
0xd: {  	[smem:$0x3FB4] =	sst s5  }
0xe: {  	[smem:$0x3FB5] =	sst s6  }
0xf: {  	[smem:$0x3FB6] =	sst s7  }
0x10: {  	[smem:$0x3FB7] =	sst s8  }
0x11: {  	[smem:$0x3FB8] =	sst s9;
	s0 =	simm.s32 @!p0 $0x0  }
0x12: {  	s1 =	sld [smem:$0x3F9E];
	s0 =	simm.s32 @p0 $0x1  }
0x13: {  	[smem:$0x3FB9] =	sst s0;
	s0 =	simm.s32 @!p1 $0x0  }
0x14: {  	s2 =	sld [smem:$0x3F9D];
	s0 =	simm.s32 @p1 $0x1  }
0x15: {  	[smem:$0x3FBA] =	sst s0;
	s0 =	simm.s32 @!p2 $0x0  }
0x16: {  	s3 =	sld [smem:$0x3FDB];
	s0 =	simm.s32 @p2 $0x1  }
0x17: {  	s4 =	simm.s32 $0x1BF5;
	[smem:$0x3FBC] =	sst s0  }
0x18: {  	s0 =	sld [smem:$0x3F9F];
	_ =	swait.ge [sflag:s4], $0x0  }
0x19: {  	s7 =	sld [smem:$0x3FA0]  }
0x1a: {  	s8 =	sadd.s32 $0xFFFFE003, lr  }
0x1b: {  	s9 =	sadd.s32 $0xFFFFFEF7, lr;
	s5 =	simm.s32 $0xFFFFFFFF;
	p2 =	slt.u32 s8, $0xFFFFF086  }
0x1c: {  	p1 =	slt.u32 s9, $0xF7A;
	s5 =	simm.s32 @!p2 $0x0  }
0x1d: {  	s5 =	simm.s32 @p1 $0x1;
	p0 =	seq.s32 s7, s2  }
0x1e: {  	s7 =	smul.u32 @!p0 $0xF7A, s2;
	p2 =	seq.s32 @!p0 s5, $0x0  }
0x1f: {  	s9 =	smul.u32 $0xF7A, s1;
	s8 =	simm.s32 @!p0 $0x1BF5;
	p2 =	por !p2, p0  }
0x20: {  	[sflag:s8] =	ssyncset.s32 @!p0 $0xFFFFF086;
	s6 =	sadd.s32 @!p0 s3, s7;
	s7 =	simm.s32 @!p0 $0x108  }
0x21: {  	s3 =	sadd.s32 s3, s9;
	s6 =	sadd.s32 @!p0 $0x88, s6;
	s7 =	simm.s32 @p2 $0x1082  }
0x22: {  	[simem:s7], [sflag:s8] =	dma.local @!p0 [hbm:s6], $0xF7A  }
0x23: {  	s9 =	sor.u32 $0xD0000000, s2;
	s6 =	simm.s32 $0x108;
	_ =	swait.ge @!p0 [sflag:s8], $0x0  }
0x24: {  	s3 =	sadd.s32 $0x88, s3;
	s6 =	simm.s32 @!p1 $0x1082;
	[sflag:s4] =	ssyncset.s32 $0xFFFFF086  }
0x25: {  	[simem:s6], [sflag:s4] =	dma.local [hbm:s3], $0xF7A  }
0x26: {  	[smem:$0x3FA0] =	sst s1;
	(tag) =	ssettag s2;
	_ =	strace s9  }
0x27: {  	s1 =	sld [smem:$0x3FB0]  }
0x28: {  	s2 =	sld [smem:$0x3FB1]  }
0x29: {  	s4 =	sld [smem:$0x3FB3]  }
0x2a: {  	p0 =	seq.s32 s5, $0x0;
	s5 =	sld [smem:$0x3FB4]  }
0x2b: {  	s6 =	sld [smem:$0x3FB5]  }
0x2c: {  	s7 =	sld [smem:$0x3FB6]  }
0x2d: {  	s3 =	simm.s32 $0x108;
	s8 =	sld [smem:$0x3FB7]  }
0x2e: {  	s3 =	simm.s32 @!p0 $0x1082;
	s9 =	sld [smem:$0x3FB8]  }
0x2f: {  	lr =	sadd.s32 s0, s3;
	s0 =	sld [smem:$0x3FAF]  }
0x30: {  	s3 =	sld [smem:$0x3FB2]  }
0x31: {  	[smem:$0x3FBB] =	sst s10  }
0x32: {  	s10 =	sld [smem:$0x3FB9];
	_ =	sdelay $0x3  }
0x33: {  	p0 =	seq.s32 s10, $0x1;
	s10 =	sld [smem:$0x3FBB];
	_ =	sdelay $0x3  }
0x34: {  	[smem:$0x3FBB] =	sst s10  }
0x35: {  	s10 =	sld [smem:$0x3FBA];
	_ =	sdelay $0x3  }
0x36: {  	p1 =	seq.s32 s10, $0x1;
	s10 =	sld [smem:$0x3FBB];
	_ =	sdelay $0x3  }
0x37: {  	[smem:$0x3FBB] =	sst s10  }
0x38: {  	s10 =	sld [smem:$0x3FBC]  }
0x39: {  	_ = 	snop;
	(pc) =	sbr.ind lr, $3  }
0x3a: {  	_ = 	snop  }
0x3b: {  	_ = 	snop  }
0x3c: {  	p2 =	seq.s32 s10, $0x1;
	s10 =	sld [smem:$0x3FBB]  }
0x3d: {  	_ =	shalt  }
0x3e: {  	_ =	shalt  }
0x3f: {  	_ =	shalt  }
0x40: {  	_ =	shalt  }
0x41: {  	_ =	shalt  }
0x42: {  	_ =	shalt  }
0x43: {  	_ =	shalt  }
0x44: {  	_ =	shalt  }
0x45: {  	_ =	shalt  }
0x46: {  	_ =	shalt  }
0x47: {  	_ =	shalt  }
0x48: {  	_ =	shalt  }
0x49: {  	_ =	shalt  }
0x4a: {  	_ =	shalt  }
0x4b: {  	_ =	shalt  }
0x4c: {  	_ =	shalt  }
0x4d: {  	_ =	shalt  }
0x4e: {  	_ =	shalt  }
0x4f: {  	_ =	shalt  }
0x50: {  	_ =	shalt  }
0x51: {  	_ =	shalt  }
0x52: {  	_ =	shalt  }
0x53: {  	_ =	shalt  }
0x54: {  	_ =	shalt  }
0x55: {  	_ =	shalt  }
0x56: {  	_ =	shalt  }
0x57: {  	_ =	shalt  }
0x58: {  	_ =	shalt  }
0x59: {  	_ =	shalt  }
0x5a: {  	_ =	shalt  }
0x5b: {  	_ =	shalt  }
0x5c: {  	_ =	shalt  }
0x5d: {  	_ =	shalt  }
0x5e: {  	_ =	shalt  }
0x5f: {  	_ =	shalt  }
0x60: {  	_ =	shalt  }
0x61: {  	_ =	shalt  }
0x62: {  	_ =	shalt  }
0x63: {  	_ =	shalt  }
0x64: {  	_ =	shalt  }
0x65: {  	_ =	shalt  }
0x66: {  	_ =	shalt  }
0x67: {  	_ =	shalt  }
0x68: {  	_ =	shalt  }
0x69: {  	_ =	shalt  }
0x6a: {  	_ =	shalt  }
0x6b: {  	_ =	shalt  }
0x6c: {  	_ =	shalt  }
0x6d: {  	_ =	shalt  }
0x6e: {  	_ =	shalt  }
0x6f: {  	_ =	shalt  }
0x70: {  	_ =	shalt  }
0x71: {  	_ =	shalt  }
0x72: {  	_ =	shalt  }
0x73: {  	_ =	shalt  }
0x74: {  	_ =	shalt  }
0x75: {  	_ =	shalt  }
0x76: {  	_ =	shalt  }
0x77: {  	_ =	shalt  }
0x78: {  	_ =	shalt  }
0x79: {  	_ =	shalt  }
0x7a: {  	_ =	shalt  }
0x7b: {  	_ =	shalt  }
0x7c: {  	_ =	shalt  }
0x7d: {  	_ =	shalt  }
0x7e: {  	_ =	shalt  }
0x7f: {  	_ =	shalt  }
0x80: {  	_ =	shalt  }
0x81: {  	_ =	shalt  }
0x82: {  	_ =	shalt  }
0x83: {  	_ =	shalt  }
0x84: {  	_ =	shalt  }
0x85: {  	_ =	shalt  }
0x86: {  	_ =	shalt  }
0x87: {  	_ =	shalt  }
.Lfunc_end0:
.L_simem_size_0:
called_computation_lowered:
.L_overlay_start_0:
0x88: {  	s0 =	sld [smem:$0x3FD9]  }
0x89: {  	s1 =	sld [smem:$0x3FFE];
	_ =	sdelay $0x3  }
0x8a: {  	s0 =	sadd.s32 s1, s0  }
0x8b: {  	[smem:$0x3FC7] =	sst s0  }
0x8c: {  	_ = 	snop  }
0x8d: {  	s0 =	sld [smem:$0x3FD0];
	(tm) =	ssettm $0x1  }
0x8e: {  	s16 =	sld [smem:$0x3FFB];
	_ =	sdelay $0x3  }
0x8f: {  	_ =	strace s16  }
0x90: {  	s1 =	sld [smem:$0x3FFC];
	_ =	sdelay $0x3  }
0x91: {  	_ =	strace s1  }
0x92: {  	s1 =	sld [smem:$0x3FFD];
	_ =	sdelay $0x3  }
0x93: {  	_ =	strace s1  }
0x94: {  	_ =	strace $0x8FFFFFFF  }
0x95: {  	s17 =	sld [smem:$0x3FDB];
	_ =	sdelay $0x1  }
0x96: {  	s2 =	simm.s32 $_scs_section_size  }
0x97: {  	s3 =	simm.s32 $_size__tile_overlayer_lowered;
	s4 =	simm.s32 $_tile_overlayer_lowered  }
0x98: {  	s20 =	simm.s32 $0x1BFF;
	s19 =	sshll.u32 s4, $0x1;
	s1 =	sadd.s32 s2, s17  }
0x99: {  	s5 =	simm.s32 $0x0;
	s18 =	sshll.u32 s3, $0x1;
	s3 =	sadd.s32 s19, s1  }
0x9a: {  	[timem:s5], [sflag:s20] =	dma.local [hbm:s3], s18  }
0x9b: {  	_ =	swait.ge [sflag:s20], s18  }
0x9c: {  	s2 =	ssub.s32 $0x0, s18;
	[sflag:s20] =	ssyncset.done $0x0  }
0x9d: {  	[sflag:s20] =	ssyncadd.s32 s2;
	_ =	sdelay $0x1  }
0x9e: {  	s21 =	simm.s32 $0x1B8B  }
0x9f: {  	_ =	swait.ge [sflag:s21], $0x1  }
0xa0: {  	[sflag:s21] =	ssyncset.done $0x0  }
0xa1: {  	s23 =	simm.s32 $0x1B8E;
	s22 =	sld [smem:$0x3FFE];
	[sflag:s21] =	ssyncadd.s32 $0xFFFFFFFF  }
0xa2: {  	s24 =	simm.s32 $execute0_lowered;
	[smem:$0x3FD2] =	sst s23  }
0xa3: {  	s3 =	sshll.u32 s24, $0x1;
	_ =	strace $0x80000046;
	[dreg:$0x1] =	wrdreg $0xFFFFFFFF  }
0xa4: {  	s25 =	simm.s32 $_size_execute0_lowered;
	s1 =	sadd.s32 s1, s3;
	[dreg:$0x0] =	wrdreg $0x0  }
0xa5: {  	s3 =	sshll.u32 s25, $0x1;
	[dreg:$0x2] =	wrdreg s1  }
0xa6: {  	[dreg:$0x3] =	wrdreg s3  }
0xa7: {  	[dreg:$0x4] =	wrdreg $0xC0  }
0xa8: {  	_ =	task [dreg:s5], $0x5FFFF  }
0xa9: {  	[dreg:$0x1] =	wrdreg $0xFFFFFFFF  }
0xaa: {  	[dreg:$0x0] =	wrdreg $0x60  }
0xab: {  	[dreg:$0x2] =	wrdreg s0  }
0xac: {  	[dreg:$0x3] =	wrdreg s22  }
0xad: {  	[dreg:$0x4] =	wrdreg $0x9  }
0xae: {  	_ =	task.clear_ibuf [dreg:s5], $0x5FFFF;
	_ =	strace $0x90000046  }
0xaf: {  	s26 =	simm.s32 $0x9;
	_ =	strace $0x80000048  }
0xb0: {  	_ =	swait.ge [sflag:s26], $0x1  }
0xb1: {  	[sflag:s26] =	ssyncadd.s32 $0xFFFFFFFF  }
0xb2: {  	_ =	strace $0x90000048  }
0xb3: {  	_ =	sfence  }
0xb4: {  	s28 =	sld [smem:$0x0];
	_ =	sdelay $0x1  }
0xb5: {  	s29 =	srdreg.scid  }
0xb6: {  	s30 =	sshll.u32 s29, $0xD;
	s31 =	sshrl.u32 s29, $0x2  }
0xb7: {  	s2 =	sand.u32 $0x4000, s30;
	s1 =	sand.u32 $0x1, s29;
	s0 =	sadd.s32 s31, s28  }
0xb8: {  	s1 =	sor.u32 s2, s1;
	s0 =	sshll.u32 s0, $0x11  }
0xb9: {  	s0 =	sor.u32 s0, s1  }
0xba: {  	s0 =	sadd.s32 $0x8F2B, s0  }
0xbb: {  	[sflag:s0] =	ssyncadd.remote.s32 $0x1  }
0xbc: {  	_ =	sfence.sel $0xFFFF  }
0xbd: {  	[dreg:$0x0] =	wrdreg $0xFFFFFFFF;
	(pc) =	sbr.abs _section_cstart, $3  }
0xbe: {  	[dreg:$0x1] =	wrdreg $0xFFFFFFFF  }
0xbf: {  	_ =	task.clear_ibuf [dreg:s5], $0x2FFFF;
	_ =	strace $0x9FFFFFFF  }
0xc0: {  	(tm) =	ssettm $0x7FFFFFFF  }
0xc1: {  	_ =	shalt  }
tec
execute0_lowered:
.L_overlay_start_1:
0x0: {  	(tag) =	ssettag $0x1  }
0x1: {  	s5 =	rddreg [dreg:$0x0]  }
0x2: {  	s4 =	rddreg [dreg:$0x1]  }
0x3: {  	s0 =	rddreg [dreg:$0x2];
	s3 =	simm.s32 $0x0;
	s1 =	stileid.u32  }
0x4: {  	[smem:$0x7FF] =	sst s3;
	s6 =	sor.u32 $0x20, s1;
	s7 =	sor.u32 $0x30, s1  }
0x5: {  	s13 =	sor.u32 $0x40, s1;
	s14 =	sor.u32 $0x50, s1;
	s2 =	sshrl.u32 s1, $0x3  }
0x6: {  	s16 =	sor.u32 $0x60, s1;
	s9 =	sshll.u32 s1, $0xC;
	s10 =	sor.u32 $0x10, s1  }
0x7: {  	_ =	strace $0x80000047;
	s8 =	sshll.u32 s2, $0xF;
	s2 =	sshll.u32 s2, $0x10  }
0x8: {  	s23 =	sshrl.u32 s10, $0x3;
	s19 =	sshrl.u32 s6, $0x3;
	s10 =	sshll.u32 s10, $0xC  }
0x9: {  	s29 =	sshrl.u32 s7, $0x3;
	s22 =	sshll.u32 s13, $0x2;
	p0 =	sgt.u32 s13, $0x47  }
0xa: {  	s8 =	ssub.s32 s9, s8;
	s12 =	sshll.u32 s23, $0xF;
	s18 =	sshll.u32 s23, $0x10  }
0xb: {  	s20 =	sshll.u32 s19, $0xF;
	s25 =	sshll.u32 s19, $0x10;
	s30 =	sshll.u32 s29, $0xF  }
0xc: {  	s21 =	sshll.u32 s29, $0x10;
	s23 =	simm.s32 $0x240;
	s8 =	sadd.s32 s2, s8  }
0xd: {  	s2 =	sshll.u32 s1, $0x9;
	s24 =	ssub.s32 s10, s12;
	s23 =	simm.s32 @!p0 $0x0  }
0xe: {  	s11 =	sor.u32 s2, s8;
	s8 =	sshll.u32 s6, $0xC;
	s6 =	sadd.s32 s18, s24  }
0xf: {  	s24 =	simm.s32 $0xFFF7;
	s26 =	ssub.s32 s8, s20;
	s11 =	sand.u32 $0xFFFFE200, s11  }
0x10: {  	s6 =	sor.u32 s2, s6;
	s24 =	simm.s32 @!p0 $0x0;
	s12 =	sadd.s32 s25, s26  }
0x11: {  	s11 =	sshrl.u32 s11, $0x3;
	s6 =	sand.u32 $0xFFFFE200, s6;
	s12 =	sor.u32 s2, s12  }
0x12: {  	s25 =	sshrl.u32 s14, $0x3;
	s14 =	sshll.u32 s14, $0xC;
	s28 =	sand.u32 $0xFFFFE200, s12  }
0x13: {  	s18 =	sadd.s32 s5, s11;
	s6 =	sshrl.u32 s6, $0x3;
	s11 =	sshrl.u32 s28, $0x3  }
0x14: {  	s26 =	sshll.u32 s25, $0xF;
	s20 =	sadd.s32 s5, s11;
	s11 =	sshrl.u32 s13, $0x3  }
0x15: {  	s19 =	sadd.s32 s5, s6;
	s12 =	sshll.u32 s7, $0xC;
	s31 =	sshll.u32 s11, $0x5  }
0x16: {  	s6 =	ssub.s32 s12, s30;
	s30 =	sshrl.u32 s16, $0x3;
	s13 =	ssub.s32 s22, s31  }
0x17: {  	s6 =	sadd.s32 s21, s6;
	s22 =	sadd.s32 s11, s24;
	s24 =	sadd.s32 s23, s13  }
0x18: {  	s6 =	sor.u32 s2, s6;
	s7 =	sshll.u32 s22, $0x10;
	s21 =	sshll.u32 s24, $0xA  }
0x19: {  	s16 =	sshll.u32 s16, $0xC;
	s6 =	sand.u32 $0xFFFFE200, s6;
	s7 =	sadd.s32 s21, s7  }
0x1a: {  	s22 =	ssub.s32 s14, s26;
	s6 =	sshrl.u32 s6, $0x3;
	s7 =	sor.u32 s2, s7  }
0x1b: {  	s21 =	sshll.u32 s25, $0x10;
	s25 =	sadd.s32 s5, s6;
	s7 =	sand.u32 $0xFFFFE200, s7  }
0x1c: {  	s6 =	simm.s32 $0x200;
	s21 =	sadd.s32 s21, s22;
	s7 =	sshrl.u32 s7, $0x3  }
0x1d: {  	s28 =	sor.u32 s2, s21;
	s26 =	sadd.s32 s5, s7;
	s7 =	simm.s32 $0x400  }
0x1e: {  	[tilespmem:s3], [sflag:$0x1] =	stream.strided.gather [hbm4b:s18+s6], $0x1000, s7, s6, $0x38;
	[tilespmem:$0x9000] =	vst v63  }
0x1f: {  	s31 =	sshll.u32 s30, $0xF;
	s24 =	simm.s32 $0x1000;
	s21 =	sand.u32 $0xFFFFE200, s28  }
0x20: {  	[tilespmem:s24], [sflag:$0x1] =	stream.strided.gather [hbm4b:s19+s6], $0x1000, s7, s6, $0x38;
	[tilespmem:$0x9000] =	vst v63  }
0x21: {  	s29 =	sshrl.u32 s21, $0x3;
	s21 =	sshll.u32 s30, $0x10;
	s19 =	ssub.s32 s16, s31  }
0x22: {  	s17 =	sor.u32 $0x70, s1;
	s23 =	simm.s32 $0x2000;
	s28 =	sadd.s32 s21, s19  }
0x23: {  	[tilespmem:s23], [sflag:$0x1] =	stream.strided.gather [hbm4b:s20+s6], $0x1000, s7, s6, $0x38;
	[tilespmem:$0x9000] =	vst v63  }
0x24: {  	s15 =	sor.u32 $0x80, s1;
	s22 =	simm.s32 $0x3000;
	s19 =	sor.u32 s2, s28  }
0x25: {  	s18 =	simm.s32 $0x5000;
	s20 =	simm.s32 $0x4000;
	s19 =	sand.u32 $0xFFFFE200, s19  }
0x26: {  	[tilespmem:s22], [sflag:$0x1] =	stream.strided.gather [hbm4b:s25+s6], $0x1000, s7, s6, $0x38;
	[tilespmem:$0x9000] =	vst v63  }
0x27: {  	s25 =	sadd.s32 s5, s29;
	s29 =	sshrl.u32 s17, $0x3;
	s19 =	sshrl.u32 s19, $0x3  }
0x28: {  	s17 =	sshll.u32 s17, $0xC;
	s30 =	sshll.u32 s29, $0xF;
	s31 =	sadd.s32 s5, s19  }
0x29: {  	[tilespmem:s20], [sflag:$0x1] =	stream.strided.gather [hbm4b:s26+s6], $0x1000, s7, s6, $0x38;
	[tilespmem:$0x9000] =	vst v63  }
0x2a: {  	s19 =	simm.s32 $0x6000;
	s21 =	ssub.s32 s17, s30;
	s26 =	sshrl.u32 s15, $0x3  }
0x2b: {  	[tilespmem:s18], [sflag:$0x1] =	stream.strided.gather [hbm4b:s25+s6], $0x1000, s7, s6, $0x38;
	[tilespmem:$0x9000] =	vst v63  }
0x2c: {  	s15 =	sshll.u32 s15, $0xC;
	s28 =	sshll.u32 s26, $0xF;
	s25 =	sshll.u32 s29, $0x10  }
0x2d: {  	s21 =	sadd.s32 s25, s21;
	s25 =	sshll.u32 s26, $0x10;
	s26 =	ssub.s32 s15, s28  }
0x2e: {  	[tilespmem:s19], [sflag:$0x1] =	stream.strided.gather [hbm4b:s31+s6], $0x1000, s7, s6, $0x38;
	[tilespmem:$0x9000] =	vst v63  }
0x2f: {  	s21 =	sor.u32 s2, s21;
	s25 =	sadd.s32 s25, s26  }
0x30: {  	s21 =	sand.u32 $0xFFFFE200, s21;
	s25 =	sor.u32 s2, s25  }
0x31: {  	s30 =	sor.u32 s2, s9;
	s21 =	sshrl.u32 s21, $0x3;
	s25 =	sand.u32 $0xFFFFE200, s25  }
0x32: {  	s29 =	sadd.s32 s5, s21;
	s21 =	simm.s32 $0x7000;
	s25 =	sshrl.u32 s25, $0x3  }
0x33: {  	[tilespmem:s21], [sflag:$0x1] =	stream.strided.gather [hbm4b:s29+s6], $0x1000, s7, s6, $0x38;
	[tilespmem:$0x9000] =	vst v63  }
0x34: {  	s9 =	simm.s32 $0x1;
	s25 =	sadd.s32 s5, s25;
	s5 =	simm.s32 $0x8000  }
0x35: {  	[tilespmem:s5], [sflag:$0x1] =	stream.strided.gather [hbm4b:s25+s6], $0x1000, s7, s6, $0x38;
	[tilespmem:$0x9000] =	vst v63  }
0x36: {  	s25 =	sand.u32 $0xE200, s30;
	_ =	swait.ge [sflag:s9], $0x1000  }
0x37: {  	s4 =	sadd.s32 $0x400, s4;
	s25 =	sshrl.u32 s25, $0x3;
	[sflag:s9] =	ssyncset.done $0x0  }
0x38: {  	s10 =	sor.u32 s2, s10;
	s25 =	sadd.s32 s4, s25;
	[sflag:s9] =	ssyncadd.s32 $0xFFFFF000  }
0x39: {  	[hbm4b:s25+s6] =	stream.strided.scatter [tilespmem:s3], [sflag:$0x2], $0x1000, s7, s6, $0x38;
	[tilespmem:$0x9000] =	vst v63  }
0x3a: {  	s31 =	sand.u32 $0x1E200, s10;
	_ =	swait.ge [sflag:s9], $0x1000  }
0x3b: {  	s3 =	sshrl.u32 s31, $0x3;
	[sflag:s9] =	ssyncset.done $0x0  }
0x3c: {  	s8 =	sor.u32 s2, s8;
	s3 =	sadd.s32 s4, s3;
	[sflag:s9] =	ssyncadd.s32 $0xFFFFF000  }
0x3d: {  	[hbm4b:s3+s6] =	stream.strided.scatter [tilespmem:s24], [sflag:$0x2], $0x1000, s7, s6, $0x38;
	[tilespmem:$0x9000] =	vst v63  }
0x3e: {  	s8 =	sand.u32 $0x2E200, s8;
	_ =	swait.ge [sflag:s9], $0x1000  }
0x3f: {  	s10 =	sor.u32 s2, s12;
	s3 =	sshrl.u32 s8, $0x3;
	[sflag:s9] =	ssyncset.done $0x0  }
0x40: {  	s12 =	sshll.u32 s11, $0xF;
	s3 =	sadd.s32 s4, s3;
	[sflag:s9] =	ssyncadd.s32 $0xFFFFF000  }
0x41: {  	[hbm4b:s3+s6] =	stream.strided.scatter [tilespmem:s23], [sflag:$0x2], $0x1000, s7, s6, $0x38;
	[tilespmem:$0x9000] =	vst v63  }
0x42: {  	s8 =	sand.u32 $0x3E200, s10;
	s23 =	sshll.u32 s13, $0xA;
	_ =	swait.ge [sflag:s9], $0x1000  }
0x43: {  	s8 =	sshrl.u32 s8, $0x3;
	s3 =	sadd.s32 s12, s23;
	[sflag:s9] =	ssyncset.done $0x0  }
0x44: {  	s8 =	sadd.s32 s4, s8;
	s3 =	sor.u32 s2, s3;
	[sflag:s9] =	ssyncadd.s32 $0xFFFFF000  }
0x45: {  	[hbm4b:s8+s6] =	stream.strided.scatter [tilespmem:s22], [sflag:$0x2], $0x1000, s7, s6, $0x38;
	[tilespmem:$0x9000] =	vst v63  }
0x46: {  	s3 =	sand.u32 $0xFFFFE200, s3;
	_ =	swait.ge [sflag:s9], $0x1000  }
0x47: {  	s3 =	sshrl.u32 s3, $0x3;
	[sflag:s9] =	ssyncset.done $0x0  }
0x48: {  	s24 =	sor.u32 s2, s14;
	s3 =	sadd.s32 s4, s3;
	[sflag:s9] =	ssyncadd.s32 $0xFFFFF000  }
0x49: {  	[hbm4b:s3+s6] =	stream.strided.scatter [tilespmem:s20], [sflag:$0x2], $0x1000, s7, s6, $0x38;
	[tilespmem:$0x9000] =	vst v63  }
0x4a: {  	s25 =	sand.u32 $0x5E200, s24;
	_ =	swait.ge [sflag:s9], $0x1000  }
0x4b: {  	s3 =	sshrl.u32 s25, $0x3;
	[sflag:s9] =	ssyncset.done $0x0  }
0x4c: {  	s26 =	sor.u32 s2, s16;
	s3 =	sadd.s32 s4, s3;
	[sflag:s9] =	ssyncadd.s32 $0xFFFFF000  }
0x4d: {  	[hbm4b:s3+s6] =	stream.strided.scatter [tilespmem:s18], [sflag:$0x2], $0x1000, s7, s6, $0x38;
	[tilespmem:$0x9000] =	vst v63  }
0x4e: {  	s28 =	sand.u32 $0x6E200, s26;
	_ =	swait.ge [sflag:s9], $0x1000  }
0x4f: {  	s3 =	sshrl.u32 s28, $0x3;
	[sflag:s9] =	ssyncset.done $0x0  }
0x50: {  	s29 =	sor.u32 s2, s17;
	s3 =	sadd.s32 s4, s3;
	[sflag:s9] =	ssyncadd.s32 $0xFFFFF000  }
0x51: {  	[hbm4b:s3+s6] =	stream.strided.scatter [tilespmem:s19], [sflag:$0x2], $0x1000, s7, s6, $0x38;
	[tilespmem:$0x9000] =	vst v63  }
0x52: {  	s30 =	sand.u32 $0x7E200, s29;
	_ =	swait.ge [sflag:s9], $0x1000  }
0x53: {  	s3 =	sshrl.u32 s30, $0x3;
	[sflag:s9] =	ssyncset.done $0x0  }
0x54: {  	s2 =	sor.u32 s2, s15;
	s3 =	sadd.s32 s4, s3;
	[sflag:s9] =	ssyncadd.s32 $0xFFFFF000  }
0x55: {  	[hbm4b:s3+s6] =	stream.strided.scatter [tilespmem:s21], [sflag:$0x2], $0x1000, s7, s6, $0x38;
	[tilespmem:$0x9000] =	vst v63  }
0x56: {  	s2 =	sand.u32 $0x8E200, s2;
	_ =	swait.ge [sflag:s9], $0x1000  }
0x57: {  	s2 =	sshrl.u32 s2, $0x3;
	[sflag:s9] =	ssyncset.done $0x0  }
0x58: {  	s31 =	simm.s32 $0x2;
	s2 =	sadd.s32 s4, s2;
	[sflag:s9] =	ssyncadd.s32 $0xFFFFF000  }
0x59: {  	[hbm4b:s2+s6] =	stream.strided.scatter [tilespmem:s5], [sflag:$0x2], $0x1000, s7, s6, $0x38;
	[tilespmem:$0x9000] =	vst v63  }
0x5a: {  	_ =	swait.ge [sflag:s31], $0x1000  }
0x5b: {  	[sflag:s31] =	ssyncset.done $0x0  }
0x5c: {  	[sflag:s31] =	ssyncadd.s32 $0xFFFFF000  }
0x5d: {  	_ =	swait.ge [sflag:s31], $0x1000  }
0x5e: {  	[sflag:s31] =	ssyncset.done $0x0  }
0x5f: {  	[sflag:s31] =	ssyncadd.s32 $0xFFFFF000  }
0x60: {  	_ =	swait.ge [sflag:s31], $0x1000  }
0x61: {  	[sflag:s31] =	ssyncset.done $0x0  }
0x62: {  	[sflag:s31] =	ssyncadd.s32 $0xFFFFF000  }
0x63: {  	_ =	swait.ge [sflag:s31], $0x1000  }
0x64: {  	[sflag:s31] =	ssyncset.done $0x0  }
0x65: {  	[sflag:s31] =	ssyncadd.s32 $0xFFFFF000  }
0x66: {  	_ =	swait.ge [sflag:s31], $0x1000  }
0x67: {  	[sflag:s31] =	ssyncset.done $0x0  }
0x68: {  	[sflag:s31] =	ssyncadd.s32 $0xFFFFF000  }
0x69: {  	_ =	swait.ge [sflag:s31], $0x1000  }
0x6a: {  	[sflag:s31] =	ssyncset.done $0x0  }
0x6b: {  	[sflag:s31] =	ssyncadd.s32 $0xFFFFF000  }
0x6c: {  	_ =	swait.ge [sflag:s31], $0x1000  }
0x6d: {  	[sflag:s31] =	ssyncset.done $0x0  }
0x6e: {  	[sflag:s31] =	ssyncadd.s32 $0xFFFFF000  }
0x6f: {  	_ =	swait.ge [sflag:s31], $0x1000  }
0x70: {  	[sflag:s31] =	ssyncset.done $0x0  }
0x71: {  	[sflag:s31] =	ssyncadd.s32 $0xFFFFF000  }
0x72: {  	_ =	swait.ge [sflag:s31], $0x1000  }
0x73: {  	[sflag:s31] =	ssyncset.done $0x0  }
0x74: {  	[sflag:s31] =	ssyncadd.s32 $0xFFFFF000  }
0x75: {  	_ =	sfence.sel $0x180000  }
0x76: {  	[bflag:$0x0] =	sbarrier.arrive $0xFFFF  }
0x77: {  	p0 =	sne.s32 s1, $0x0;
	_ =	strace $0x90000047  }
0x78: {  	s0 =	sadd.s32 @!p0 $0x100000, s0;
	[bflag:$0x2] =	sbarrier.arrive $0xFFFF  }
0x79: {  	[sflag:s0] =	ssyncadd.tile.s32 @!p0 $0x1;
	_ =	shalt  }
.Lfunc_end2:
_tile_overlayer_lowered:
.L_overlay_start_2:
0x7a: {  	(tag) =	ssettag $0x2  }
0x7b: {  	s0 =	rddreg [dreg:$0x0];
	s2 =	stileid.u32  }
0x7c: {  	s1 =	rddreg [dreg:$0x1];
	p0 =	sne.s32 s2, $0x0  }
0x7d: {  	s3 =	rddreg [dreg:$0x2];
	[bflag:$0x3] =	sbarrier.arrive $0xFFFF;
	s2 =	simm.s32 @!p0 $0x1C03  }
0x7e: {  	[timem:s3], [sflag:s2] =	dma.local @!p0 [hbm:s0], s1  }
0x7f: {  	s0 =	simm.s32 @!p0 $0x3  }
0x80: {  	_ =	swait.ge @!p0 [sflag:s0], s1  }
0x81: {  	s1 =	ssub.s32 @!p0 $0x0, s1;
	[sflag:s0] =	ssyncset.done @!p0 $0x0  }
0x82: {  	[sflag:s0] =	ssyncadd.s32 @!p0 s1  }
0x83: {  	[bflag:$0x3] =	sbarrier.arrive $0xFFFF  }
0x84: {  	_ =	shalt  }

</sc_bundles>
